<compile_context>
chip_gen: v7x
topology: tpu7x:2x2x1
jax: 0.10.2.dev20260603
libtpu: 0.0.44.dev20260713+nightly
codegen_flags: <defaults>
</compile_context>

<pallas_src>
import functools

import jax
import jax.numpy as jnp
from jax import lax
from jax.experimental import pallas as pl
from jax.experimental.pallas import tpu as pltpu
from jax.experimental.pallas import tpu_sc as plsc

_EPS = 1e-07

_NC = 2
_NS = 16
_NW = _NC * _NS
_L = 16


def _poly_lerp(p, q, ta, tb):
    r = 1.0 / (tb - ta)
    return [(tb * p[i] - (p[i - 1] if i else 0.0)
             + (q[i - 1] if i else 0.0) - ta * q[i]) * r for i in range(4)]


def _segment_cubic(aux, tk, s, d):
    t = [tk[s - 1 + i] for i in range(4)]
    a = [[aux[s - 1 + i][d], 0.0, 0.0, 0.0] for i in range(4)]
    x01 = _poly_lerp(a[0], a[1], t[0], t[1])
    x12 = _poly_lerp(a[1], a[2], t[1], t[2])
    x23 = _poly_lerp(a[2], a[3], t[2], t[3])
    x012 = _poly_lerp(x01, x12, t[0], t[2])
    x123 = _poly_lerp(x12, x23, t[1], t[3])
    return _poly_lerp(x012, x123, t[1], t[2])


def _setup_body(cps_ref, out_ref):
    p0 = (cps_ref[0, 0], cps_ref[0, 1])
    p1 = (cps_ref[1, 0], cps_ref[1, 1])
    dx, dy = p0[0] - p1[0], p0[1] - p1[1]
    l01 = jnp.sqrt(dx * dx + dy * dy + _EPS)
    l_last = jnp.sqrt(dx * dx + dy * dy + _EPS)
    ra = l01 / l_last
    rb = l_last / l01
    first = (p0[0] - ra * dx, p0[1] - ra * dy)
    last = (p0[0] + rb * (p1[0] - p0[0]), p0[1] + rb * (p1[1] - p0[1]))
    aux = [first, p0, p1, p0, last]

    tk = [jnp.float32(0.0)]
    for i in range(4):
        ddx = aux[i + 1][0] - aux[i][0]
        ddy = aux[i + 1][1] - aux[i][1]
        tk.append(tk[-1] + jnp.sqrt(jnp.sqrt(ddx * ddx + ddy * ddy)))

    vals = [tk[2]]
    for s in (1, 2):
        for d in (0, 1):
            vals += [jnp.float32(c) for c in _segment_cubic(aux, tk, s, d)]
    for k, v in enumerate(vals):
        for l in range(16):
            out_ref[k, l] = v


def _spline_scalars(cps):
    return pl.pallas_call(
        _setup_body,
        out_shape=jax.ShapeDtypeStruct((17, 16), jnp.float32),
        in_specs=[pl.BlockSpec(memory_space=pltpu.SMEM)],
        out_specs=pl.BlockSpec(memory_space=pltpu.SMEM),
    )(cps)


def _make_sc_eval(n, chunk):
    nvec = chunk // _L
    mesh = plsc.VectorSubcoreMesh(core_axis_name="c", subcore_axis_name="s",
                                  num_cores=_NC, num_subcores=_NS)

    @functools.partial(
        pl.kernel,
        out_type=jax.ShapeDtypeStruct((2, n), jnp.float32),
        mesh=mesh,
        compiler_params=pltpu.CompilerParams(needs_layout_passes=False,
                                            use_tc_tiling_on_sc=False),
        scratch_types=[
            pltpu.VMEM((chunk,), jnp.float32),
            pltpu.VMEM((2, chunk), jnp.float32),
            pltpu.VMEM((17, _L), jnp.float32),
        ],
    )
    def spline_eval(t_hbm, c_hbm, out_hbm, tbuf, obuf, cbuf):
        wid = lax.axis_index("s") * _NC + lax.axis_index("c")
        base = jnp.minimum(wid * chunk, n - chunk)
        pltpu.sync_copy(t_hbm.at[pl.ds(base, chunk)], tbuf)
        pltpu.sync_copy(c_hbm, cbuf)

        c = [cbuf[k, pl.ds(0, _L)] for k in range(17)]
        tk2 = c[0]
        def step(j, carry):
            tv = tbuf[pl.ds(j * _L, _L)]
            m = tv >= tk2
            for d in range(2):
                o1, o2 = 1 + 4 * d, 9 + 4 * d
                cc = [jnp.where(m, c[o2 + i], c[o1 + i]) for i in range(4)]
                p = ((cc[3] * tv + cc[2]) * tv + cc[1]) * tv + cc[0]
                obuf[d, pl.ds(j * _L, _L)] = p
            return carry

        lax.fori_loop(0, nvec, step, 0)
        pltpu.sync_copy(obuf.at[0, pl.ds(0, chunk)],
                        out_hbm.at[0, pl.ds(base, chunk)])
        pltpu.sync_copy(obuf.at[1, pl.ds(0, chunk)],
                        out_hbm.at[1, pl.ds(base, chunk)])

    return spline_eval


_ROWS_BLK = 2048


def _interleave_body(in_ref, out_ref):
    out_ref[...] = in_ref[...].reshape(_ROWS_BLK, 2)


def _to_pairs(flat, n):
    return pl.pallas_call(
        _interleave_body,
        grid=((n + _ROWS_BLK - 1) // _ROWS_BLK,),
        in_specs=[pl.BlockSpec((2 * _ROWS_BLK,), lambda g: (g,))],
        out_specs=pl.BlockSpec((_ROWS_BLK, 2), lambda g: (g, 0)),
        out_shape=jax.ShapeDtypeStruct((n, 2), jnp.float32),
    )(flat)


def kernel(t, cps):
    n = t.shape[0]
    consts = _spline_scalars(cps)
    assert n % 8 == 0
    gran = _NW * _L
    chunk = ((n + gran - 1) // gran) * _L
    planes = _make_sc_eval(n, chunk)(t, consts)
    return jnp.stack([planes[0], planes[1]], axis=-1)

# --- scband reference (transcript-rebuilt; emitter-appended) ---
"""Pipeline reference for scband-catmull-rom-spline-motion-53712861004510 (READ-ONLY COPY).

The authoritative reference and input builder live on the scoring server;
editing this copy changes nothing except your own understanding.
"""

import jax, jax.numpy as jnp
import numpy as np

EPS = 1e-07
ALPHA = 0.5
N_T = 50000


def _build_spline(cps0):
    # faithful to torch __init__: close the loop, build auxiliary cps, knot vector
    cps = jnp.concatenate([cps0, cps0[0:1, :]], axis=0)
    l01 = jnp.sqrt(jnp.sum(jnp.power(cps[0, :] - cps[1, :], 2)) + EPS)
    l_last = jnp.sqrt(jnp.sum(jnp.power(cps[-1, :] - cps[-2, :], 2)) + EPS)
    l01 = jax.lax.stop_gradient(l01)      # torch: l_01.detach_()
    l_last = jax.lax.stop_gradient(l_last)  # torch: l_last_01.detach_()
    first = cps[0, :] - l01 / l_last * (cps[-1, :] - cps[-2, :])
    last = cps[-1, :] + l_last / l01 * (cps[1, :] - cps[0, :])
    aux = jnp.concatenate([first[None, :], cps, last[None, :]], axis=0)
    d = jnp.power(jnp.sum(jnp.power(aux[1:] - aux[:-1], 2), axis=-1), ALPHA / 2.0)
    tk = jnp.concatenate([jnp.zeros(1, dtype=jnp.float32), jnp.cumsum(d)])
    tk = jax.lax.stop_gradient(tk)  # torch: t = t.detach()
    return aux, tk


def _forward(t, cps0):
    aux, tk = _build_spline(cps0)
    cp_num = cps0.shape[0]
    # torch forward sorts t and scans segments; for in-range t this equals a
    # searchsorted binning into knot intervals, clamped to [1, cp_num]
    order = jnp.argsort(t)
    tv = t[order]
    sg = jnp.clip(jnp.searchsorted(tk, tv, side='right') - 1, 1, cp_num)
    t0 = tk[sg - 1][:, None]
    t1 = tk[sg][:, None]
    t2 = tk[sg + 1][:, None]
    t3 = tk[sg + 2][:, None]
    a0 = aux[sg - 1]
    a1 = aux[sg]
    a2 = aux[sg + 1]
    a3 = aux[sg + 2]
    tvc = tv[:, None]
    x01 = ((t1 - tvc) * a0 + (tvc - t0) * a1) / (t1 - t0)
    x12 = ((t2 - tvc) * a1 + (tvc - t1) * a2) / (t2 - t1)
    x23 = ((t3 - tvc) * a2 + (tvc - t2) * a3) / (t3 - t2)
    x012 = ((t2 - tvc) * x01 + (tvc - t0) * x12) / (t2 - t0)
    x123 = ((t3 - tvc) * x12 + (tvc - t1) * x23) / (t3 - t1)
    pts = ((t2 - tvc) * x012 + (tvc - t1) * x123) / (t2 - t1)
    # torch: points[i] = ... with i = argsort indices -> scatter-overwrite
    points = jnp.zeros((t.shape[0], cps0.shape[1]), dtype=jnp.float32).at[order].set(pts)
    return points


def setup_inputs(seed: int = 0):
    key = jax.random.key(seed)
    k1, k2 = jax.random.split(key)
    cps0 = jax.random.uniform(k1, (2, 2), dtype=jnp.float32)  # default torch.rand(2, 2)
    _, tk = _build_spline(cps0)
    cp_num = 2
    t_lo = tk[1]
    t_hi = tk[cp_num + 1] - EPS
    u = jax.random.uniform(k2, (N_T,), dtype=jnp.float32)  # fill=rand
    t = t_lo + u * (t_hi - t_lo)  # scaled into valid knot range [t_1, t_{cp_num+1})
    return {"t": t, "cps": cps0}


def reference(t, cps):
    return _forward(t, cps)

if __name__ == "__main__":
    import jax
    _d = setup_inputs()
    print(jax.jit(kernel)(*tuple(_d.values())))

</pallas_src>

<mosaic_0001>
#map = affine_map<(d0, d1) -> (0)>
#map1 = affine_map<(d0, d1) -> (0, 0)>
module attributes {stable_mosaic.version = 14 : i64} {
  func.func @spline_eval(%arg0: i32, %arg1: i32, %arg2: memref<50000xf32, #tpu.memory_space<hbm>>, %arg3: memref<17x16xf32, #tpu.memory_space<hbm>>, %arg4: memref<2x50000xf32, #tpu.memory_space<hbm>>, %arg5: memref<1568xf32, #tpu.memory_space<vmem>>, %arg6: memref<2x1568xf32, #tpu.memory_space<vmem>>, %arg7: memref<17x16xf32, #tpu.memory_space<vmem>>) attributes {dimension_semantics = [#tpu.dimension_semantics<core_parallel>, #tpu.dimension_semantics<subcore_parallel>], iteration_bounds = array<i64: 2, 16>, scalar_prefetch = 0 : i64, scratch_operands = 3 : i64, tpu.core_type = #tpu.core_type<sc_vector_subcore>, window_params = [{transform_indices = #map}, {transform_indices = #map1}, {transform_indices = #map1}]} {
    %mul3A = arith.constant 2 : i32
    %mul3A_0 = arith.muli %arg1, %mul3A : i32
    %add3A = arith.addi %mul3A_0, %arg0 : i32
    %mul3A_1 = arith.constant 1568 : i32
    %mul3A_2 = arith.muli %add3A, %mul3A_1 : i32
    %min3A = arith.constant 48432 : i32
    %min3A_3 = arith.minsi %mul3A_2, %min3A : i32
    "tpu.region"() ({
      %run_scoped3A_79 = tpu.sem_alloc : memref<!tpu.dma_semaphore, #tpu.memory_space<semaphore_mem>>
      %dma_start3A = tpu.memref_slice %arg2[%min3A_3] : memref<50000xf32, #tpu.memory_space<hbm>> -> memref<1568xf32, #tpu.memory_space<hbm>>
      %dma_start3A_80 = tpu.memref_slice %arg2[%min3A_3] : memref<50000xf32, #tpu.memory_space<hbm>> -> memref<1568xf32, #tpu.memory_space<hbm>>
      tpu.enqueue_dma source(%dma_start3A_80 : memref<1568xf32, #tpu.memory_space<hbm>>) target(%arg5 : memref<1568xf32, #tpu.memory_space<vmem>>) target_semaphore(%run_scoped3A_79 : memref<!tpu.dma_semaphore, #tpu.memory_space<semaphore_mem>>)
      %dma_wait3A = tpu.memref_slice %arg2[%min3A_3] : memref<50000xf32, #tpu.memory_space<hbm>> -> memref<1568xf32, #tpu.memory_space<hbm>>
      %dma_wait3A_81 = tpu.memref_slice %arg2[%min3A_3] : memref<50000xf32, #tpu.memory_space<hbm>> -> memref<1568xf32, #tpu.memory_space<hbm>>
      tpu.wait_dma2 semaphore(%run_scoped3A_79 : memref<!tpu.dma_semaphore, #tpu.memory_space<semaphore_mem>>) src(%dma_wait3A_81 : memref<1568xf32, #tpu.memory_space<hbm>>) dst(%arg5 : memref<1568xf32, #tpu.memory_space<vmem>>)
      tpu.yield
    }) : () -> ()
    "tpu.region"() ({
      %run_scoped3A_79 = tpu.sem_alloc : memref<!tpu.dma_semaphore, #tpu.memory_space<semaphore_mem>>
      tpu.enqueue_dma source(%arg3 : memref<17x16xf32, #tpu.memory_space<hbm>>) target(%arg7 : memref<17x16xf32, #tpu.memory_space<vmem>>) target_semaphore(%run_scoped3A_79 : memref<!tpu.dma_semaphore, #tpu.memory_space<semaphore_mem>>)
      tpu.wait_dma2 semaphore(%run_scoped3A_79 : memref<!tpu.dma_semaphore, #tpu.memory_space<semaphore_mem>>) src(%arg3 : memref<17x16xf32, #tpu.memory_space<hbm>>) dst(%arg7 : memref<17x16xf32, #tpu.memory_space<vmem>>)
      tpu.yield
    }) : () -> ()
    %get3A = arith.constant 0 : i32
    %get3A_4 = arith.index_cast %get3A : i32 to index
    %get3A_5 = arith.constant 0 : index
    %get3A_6 = tpu.vector_load %arg7[%get3A_4, %get3A_5] {strides = array<i32>} : memref<17x16xf32, #tpu.memory_space<vmem>>, vector<16xf32>,
    %get3A_7 = arith.constant 1 : i32
    %get3A_8 = arith.index_cast %get3A_7 : i32 to index
    %get3A_9 = arith.constant 0 : index
    %get3A_10 = tpu.vector_load %arg7[%get3A_8, %get3A_9] {strides = array<i32>} : memref<17x16xf32, #tpu.memory_space<vmem>>, vector<16xf32>,
    %get3A_11 = arith.constant 2 : i32
    %get3A_12 = arith.index_cast %get3A_11 : i32 to index
    %get3A_13 = arith.constant 0 : index
    %get3A_14 = tpu.vector_load %arg7[%get3A_12, %get3A_13] {strides = array<i32>} : memref<17x16xf32, #tpu.memory_space<vmem>>, vector<16xf32>,
    %get3A_15 = arith.constant 3 : i32
    %get3A_16 = arith.index_cast %get3A_15 : i32 to index
    %get3A_17 = arith.constant 0 : index
    %get3A_18 = tpu.vector_load %arg7[%get3A_16, %get3A_17] {strides = array<i32>} : memref<17x16xf32, #tpu.memory_space<vmem>>, vector<16xf32>,
    %get3A_19 = arith.constant 4 : i32
    %get3A_20 = arith.index_cast %get3A_19 : i32 to index
    %get3A_21 = arith.constant 0 : index
    %get3A_22 = tpu.vector_load %arg7[%get3A_20, %get3A_21] {strides = array<i32>} : memref<17x16xf32, #tpu.memory_space<vmem>>, vector<16xf32>,
    %get3A_23 = arith.constant 5 : i32
    %get3A_24 = arith.index_cast %get3A_23 : i32 to index
    %get3A_25 = arith.constant 0 : index
    %get3A_26 = tpu.vector_load %arg7[%get3A_24, %get3A_25] {strides = array<i32>} : memref<17x16xf32, #tpu.memory_space<vmem>>, vector<16xf32>,
    %get3A_27 = arith.constant 6 : i32
    %get3A_28 = arith.index_cast %get3A_27 : i32 to index
    %get3A_29 = arith.constant 0 : index
    %get3A_30 = tpu.vector_load %arg7[%get3A_28, %get3A_29] {strides = array<i32>} : memref<17x16xf32, #tpu.memory_space<vmem>>, vector<16xf32>,
    %get3A_31 = arith.constant 7 : i32
    %get3A_32 = arith.index_cast %get3A_31 : i32 to index
    %get3A_33 = arith.constant 0 : index
    %get3A_34 = tpu.vector_load %arg7[%get3A_32, %get3A_33] {strides = array<i32>} : memref<17x16xf32, #tpu.memory_space<vmem>>, vector<16xf32>,
    %get3A_35 = arith.constant 8 : i32
    %get3A_36 = arith.index_cast %get3A_35 : i32 to index
    %get3A_37 = arith.constant 0 : index
    %get3A_38 = tpu.vector_load %arg7[%get3A_36, %get3A_37] {strides = array<i32>} : memref<17x16xf32, #tpu.memory_space<vmem>>, vector<16xf32>,
    %get3A_39 = arith.constant 9 : i32
    %get3A_40 = arith.index_cast %get3A_39 : i32 to index
    %get3A_41 = arith.constant 0 : index
    %get3A_42 = tpu.vector_load %arg7[%get3A_40, %get3A_41] {strides = array<i32>} : memref<17x16xf32, #tpu.memory_space<vmem>>, vector<16xf32>,
    %get3A_43 = arith.constant 10 : i32
    %get3A_44 = arith.index_cast %get3A_43 : i32 to index
    %get3A_45 = arith.constant 0 : index
    %get3A_46 = tpu.vector_load %arg7[%get3A_44, %get3A_45] {strides = array<i32>} : memref<17x16xf32, #tpu.memory_space<vmem>>, vector<16xf32>,
    %get3A_47 = arith.constant 11 : i32
    %get3A_48 = arith.index_cast %get3A_47 : i32 to index
    %get3A_49 = arith.constant 0 : index
    %get3A_50 = tpu.vector_load %arg7[%get3A_48, %get3A_49] {strides = array<i32>} : memref<17x16xf32, #tpu.memory_space<vmem>>, vector<16xf32>,
    %get3A_51 = arith.constant 12 : i32
    %get3A_52 = arith.index_cast %get3A_51 : i32 to index
    %get3A_53 = arith.constant 0 : index
    %get3A_54 = tpu.vector_load %arg7[%get3A_52, %get3A_53] {strides = array<i32>} : memref<17x16xf32, #tpu.memory_space<vmem>>, vector<16xf32>,
    %get3A_55 = arith.constant 13 : i32
    %get3A_56 = arith.index_cast %get3A_55 : i32 to index
    %get3A_57 = arith.constant 0 : index
    %get3A_58 = tpu.vector_load %arg7[%get3A_56, %get3A_57] {strides = array<i32>} : memref<17x16xf32, #tpu.memory_space<vmem>>, vector<16xf32>,
    %get3A_59 = arith.constant 14 : i32
    %get3A_60 = arith.index_cast %get3A_59 : i32 to index
    %get3A_61 = arith.constant 0 : index
    %get3A_62 = tpu.vector_load %arg7[%get3A_60, %get3A_61] {strides = array<i32>} : memref<17x16xf32, #tpu.memory_space<vmem>>, vector<16xf32>,
    %get3A_63 = arith.constant 15 : i32
    %get3A_64 = arith.index_cast %get3A_63 : i32 to index
    %get3A_65 = arith.constant 0 : index
    %get3A_66 = tpu.vector_load %arg7[%get3A_64, %get3A_65] {strides = array<i32>} : memref<17x16xf32, #tpu.memory_space<vmem>>, vector<16xf32>,
    %get3A_67 = arith.constant 16 : i32
    %get3A_68 = arith.index_cast %get3A_67 : i32 to index
    %get3A_69 = arith.constant 0 : index
    %get3A_70 = tpu.vector_load %arg7[%get3A_68, %get3A_69] {strides = array<i32>} : memref<17x16xf32, #tpu.memory_space<vmem>>, vector<16xf32>,
    %scan3A = arith.constant 0 : i32
    %scan3A_71 = arith.constant 0 : i32
    %scan3A_72 = arith.constant 98 : i32
    %scan3A_73 = arith.addi %scan3A_71, %scan3A_72 : i32
    %scan3A_74 = arith.constant 1 : i32
    scf.for %scan3A_79 = %scan3A_71 to %scan3A_73 step %scan3A_74  : i32 {
      %mul3A_80 = arith.constant 16 : i32
      %mul3A_81 = arith.muli %scan3A_79, %mul3A_80 : i32
      %get3A_82 = arith.index_cast %mul3A_81 : i32 to index
      %get3A_83 = tpu.vector_load %arg5[%get3A_82] {strides = array<i32>} : memref<1568xf32, #tpu.memory_space<vmem>>, vector<16xf32>,
      %ge3A = arith.cmpf oge, %get3A_83, %get3A_6 : vector<16xf32>
      %select_n3A = arith.select %ge3A, %get3A_42, %get3A_10 : vector<16xi1>, vector<16xf32>
      %select_n3A_84 = arith.select %ge3A, %get3A_46, %get3A_14 : vector<16xi1>, vector<16xf32>
      %select_n3A_85 = arith.select %ge3A, %get3A_50, %get3A_18 : vector<16xi1>, vector<16xf32>
      %select_n3A_86 = arith.select %ge3A, %get3A_54, %get3A_22 : vector<16xi1>, vector<16xf32>
      %mul3A_87 = arith.mulf %select_n3A_86, %get3A_83 : vector<16xf32>
      %add3A_88 = arith.addf %mul3A_87, %select_n3A_85 : vector<16xf32>
      %mul3A_89 = arith.mulf %add3A_88, %get3A_83 : vector<16xf32>
      %add3A_90 = arith.addf %mul3A_89, %select_n3A_84 : vector<16xf32>
      %mul3A_91 = arith.mulf %add3A_90, %get3A_83 : vector<16xf32>
      %add3A_92 = arith.addf %mul3A_91, %select_n3A : vector<16xf32>
      %mul3A_93 = arith.constant 16 : i32
      %mul3A_94 = arith.muli %scan3A_79, %mul3A_93 : i32
      %swap3A = arith.constant 0 : i32
      %swap3A_95 = arith.index_cast %swap3A : i32 to index
      %swap3A_96 = arith.index_cast %mul3A_94 : i32 to index
      %swap3A_97 = tpu.vector_load %arg6[%swap3A_95, %swap3A_96] {strides = array<i32>} : memref<2x1568xf32, #tpu.memory_space<vmem>>, vector<16xf32>,
      tpu.vector_store %arg6[%swap3A_95, %swap3A_96], %add3A_92 {strides = array<i32>} : memref<2x1568xf32, #tpu.memory_space<vmem>>, vector<16xf32>,
      %select_n3A_98 = arith.select %ge3A, %get3A_58, %get3A_26 : vector<16xi1>, vector<16xf32>
      %select_n3A_99 = arith.select %ge3A, %get3A_62, %get3A_30 : vector<16xi1>, vector<16xf32>
      %select_n3A_100 = arith.select %ge3A, %get3A_66, %get3A_34 : vector<16xi1>, vector<16xf32>
      %select_n3A_101 = arith.select %ge3A, %get3A_70, %get3A_38 : vector<16xi1>, vector<16xf32>
      %mul3A_102 = arith.mulf %select_n3A_101, %get3A_83 : vector<16xf32>
      %add3A_103 = arith.addf %mul3A_102, %select_n3A_100 : vector<16xf32>
      %mul3A_104 = arith.mulf %add3A_103, %get3A_83 : vector<16xf32>
      %add3A_105 = arith.addf %mul3A_104, %select_n3A_99 : vector<16xf32>
      %mul3A_106 = arith.mulf %add3A_105, %get3A_83 : vector<16xf32>
      %add3A_107 = arith.addf %mul3A_106, %select_n3A_98 : vector<16xf32>
      %mul3A_108 = arith.constant 16 : i32
      %mul3A_109 = arith.muli %scan3A_79, %mul3A_108 : i32
      %swap3A_110 = arith.constant 1 : i32
      %swap3A_111 = arith.index_cast %swap3A_110 : i32 to index
      %swap3A_112 = arith.index_cast %mul3A_109 : i32 to index
      %swap3A_113 = tpu.vector_load %arg6[%swap3A_111, %swap3A_112] {strides = array<i32>} : memref<2x1568xf32, #tpu.memory_space<vmem>>, vector<16xf32>,
      tpu.vector_store %arg6[%swap3A_111, %swap3A_112], %add3A_107 {strides = array<i32>} : memref<2x1568xf32, #tpu.memory_space<vmem>>, vector<16xf32>,
    }
    %scan3A_75 = arith.constant 98 : i32
    %run_scoped3A = arith.constant 0 : i32
    %run_scoped3A_76 = arith.constant 0 : i32
    "tpu.region"() ({
      %run_scoped3A_79 = tpu.sem_alloc : memref<!tpu.dma_semaphore, #tpu.memory_space<semaphore_mem>>
      %dma_start3A = arith.constant 0 : i32
      %dma_start3A_80 = tpu.memref_slice %arg6[%run_scoped3A, %dma_start3A] : memref<2x1568xf32, #tpu.memory_space<vmem>> -> memref<1x1568xf32, #tpu.memory_space<vmem>>
      %dma_start3A_81 = tpu.memref_squeeze %dma_start3A_80 : memref<1x1568xf32, #tpu.memory_space<vmem>> -> memref<1568xf32, #tpu.memory_space<vmem>>
      %dma_start3A_82 = tpu.memref_slice %arg4[%run_scoped3A_76, %min3A_3] : memref<2x50000xf32, #tpu.memory_space<hbm>> -> memref<1x1568xf32, #tpu.memory_space<hbm>>
      %dma_start3A_83 = tpu.memref_squeeze %dma_start3A_82 : memref<1x1568xf32, #tpu.memory_space<hbm>> -> memref<1568xf32, #tpu.memory_space<hbm>>
      %dma_start3A_84 = tpu.memref_slice %arg4[%run_scoped3A_76, %min3A_3] : memref<2x50000xf32, #tpu.memory_space<hbm>> -> memref<1x1568xf32, #tpu.memory_space<hbm>>
      %dma_start3A_85 = tpu.memref_squeeze %dma_start3A_84 : memref<1x1568xf32, #tpu.memory_space<hbm>> -> memref<1568xf32, #tpu.memory_space<hbm>>
      %dma_start3A_86 = arith.constant 0 : i32
      %dma_start3A_87 = tpu.memref_slice %arg6[%run_scoped3A, %dma_start3A_86] : memref<2x1568xf32, #tpu.memory_space<vmem>> -> memref<1x1568xf32, #tpu.memory_space<vmem>>
      %dma_start3A_88 = tpu.memref_squeeze %dma_start3A_87 : memref<1x1568xf32, #tpu.memory_space<vmem>> -> memref<1568xf32, #tpu.memory_space<vmem>>
      tpu.enqueue_dma source(%dma_start3A_88 : memref<1568xf32, #tpu.memory_space<vmem>>) target(%dma_start3A_85 : memref<1568xf32, #tpu.memory_space<hbm>>) target_semaphore(%run_scoped3A_79 : memref<!tpu.dma_semaphore, #tpu.memory_space<semaphore_mem>>)
      %dma_wait3A = arith.constant 0 : i32
      %dma_wait3A_89 = tpu.memref_slice %arg6[%run_scoped3A, %dma_wait3A] : memref<2x1568xf32, #tpu.memory_space<vmem>> -> memref<1x1568xf32, #tpu.memory_space<vmem>>
      %dma_wait3A_90 = tpu.memref_squeeze %dma_wait3A_89 : memref<1x1568xf32, #tpu.memory_space<vmem>> -> memref<1568xf32, #tpu.memory_space<vmem>>
      %dma_wait3A_91 = tpu.memref_slice %arg4[%run_scoped3A_76, %min3A_3] : memref<2x50000xf32, #tpu.memory_space<hbm>> -> memref<1x1568xf32, #tpu.memory_space<hbm>>
      %dma_wait3A_92 = tpu.memref_squeeze %dma_wait3A_91 : memref<1x1568xf32, #tpu.memory_space<hbm>> -> memref<1568xf32, #tpu.memory_space<hbm>>
      %dma_wait3A_93 = tpu.memref_slice %arg4[%run_scoped3A_76, %min3A_3] : memref<2x50000xf32, #tpu.memory_space<hbm>> -> memref<1x1568xf32, #tpu.memory_space<hbm>>
      %dma_wait3A_94 = tpu.memref_squeeze %dma_wait3A_93 : memref<1x1568xf32, #tpu.memory_space<hbm>> -> memref<1568xf32, #tpu.memory_space<hbm>>
      %dma_wait3A_95 = arith.constant 0 : i32
      %dma_wait3A_96 = tpu.memref_slice %arg6[%run_scoped3A, %dma_wait3A_95] : memref<2x1568xf32, #tpu.memory_space<vmem>> -> memref<1x1568xf32, #tpu.memory_space<vmem>>
      %dma_wait3A_97 = tpu.memref_squeeze %dma_wait3A_96 : memref<1x1568xf32, #tpu.memory_space<vmem>> -> memref<1568xf32, #tpu.memory_space<vmem>>
      tpu.wait_dma2 semaphore(%run_scoped3A_79 : memref<!tpu.dma_semaphore, #tpu.memory_space<semaphore_mem>>) src(%dma_wait3A_97 : memref<1568xf32, #tpu.memory_space<vmem>>) dst(%dma_wait3A_94 : memref<1568xf32, #tpu.memory_space<hbm>>)
      tpu.yield
    }) : () -> ()
    %run_scoped3A_77 = arith.constant 1 : i32
    %run_scoped3A_78 = arith.constant 1 : i32
    "tpu.region"() ({
      %run_scoped3A_79 = tpu.sem_alloc : memref<!tpu.dma_semaphore, #tpu.memory_space<semaphore_mem>>
      %dma_start3A = arith.constant 0 : i32
      %dma_start3A_80 = tpu.memref_slice %arg6[%run_scoped3A_77, %dma_start3A] : memref<2x1568xf32, #tpu.memory_space<vmem>> -> memref<1x1568xf32, #tpu.memory_space<vmem>>
      %dma_start3A_81 = tpu.memref_squeeze %dma_start3A_80 : memref<1x1568xf32, #tpu.memory_space<vmem>> -> memref<1568xf32, #tpu.memory_space<vmem>>
      %dma_start3A_82 = tpu.memref_slice %arg4[%run_scoped3A_78, %min3A_3] : memref<2x50000xf32, #tpu.memory_space<hbm>> -> memref<1x1568xf32, #tpu.memory_space<hbm>>
      %dma_start3A_83 = tpu.memref_squeeze %dma_start3A_82 : memref<1x1568xf32, #tpu.memory_space<hbm>> -> memref<1568xf32, #tpu.memory_space<hbm>>
      %dma_start3A_84 = tpu.memref_slice %arg4[%run_scoped3A_78, %min3A_3] : memref<2x50000xf32, #tpu.memory_space<hbm>> -> memref<1x1568xf32, #tpu.memory_space<hbm>>
      %dma_start3A_85 = tpu.memref_squeeze %dma_start3A_84 : memref<1x1568xf32, #tpu.memory_space<hbm>> -> memref<1568xf32, #tpu.memory_space<hbm>>
      %dma_start3A_86 = arith.constant 0 : i32
      %dma_start3A_87 = tpu.memref_slice %arg6[%run_scoped3A_77, %dma_start3A_86] : memref<2x1568xf32, #tpu.memory_space<vmem>> -> memref<1x1568xf32, #tpu.memory_space<vmem>>
      %dma_start3A_88 = tpu.memref_squeeze %dma_start3A_87 : memref<1x1568xf32, #tpu.memory_space<vmem>> -> memref<1568xf32, #tpu.memory_space<vmem>>
      tpu.enqueue_dma source(%dma_start3A_88 : memref<1568xf32, #tpu.memory_space<vmem>>) target(%dma_start3A_85 : memref<1568xf32, #tpu.memory_space<hbm>>) target_semaphore(%run_scoped3A_79 : memref<!tpu.dma_semaphore, #tpu.memory_space<semaphore_mem>>)
      %dma_wait3A = arith.constant 0 : i32
      %dma_wait3A_89 = tpu.memref_slice %arg6[%run_scoped3A_77, %dma_wait3A] : memref<2x1568xf32, #tpu.memory_space<vmem>> -> memref<1x1568xf32, #tpu.memory_space<vmem>>
      %dma_wait3A_90 = tpu.memref_squeeze %dma_wait3A_89 : memref<1x1568xf32, #tpu.memory_space<vmem>> -> memref<1568xf32, #tpu.memory_space<vmem>>
      %dma_wait3A_91 = tpu.memref_slice %arg4[%run_scoped3A_78, %min3A_3] : memref<2x50000xf32, #tpu.memory_space<hbm>> -> memref<1x1568xf32, #tpu.memory_space<hbm>>
      %dma_wait3A_92 = tpu.memref_squeeze %dma_wait3A_91 : memref<1x1568xf32, #tpu.memory_space<hbm>> -> memref<1568xf32, #tpu.memory_space<hbm>>
      %dma_wait3A_93 = tpu.memref_slice %arg4[%run_scoped3A_78, %min3A_3] : memref<2x50000xf32, #tpu.memory_space<hbm>> -> memref<1x1568xf32, #tpu.memory_space<hbm>>
      %dma_wait3A_94 = tpu.memref_squeeze %dma_wait3A_93 : memref<1x1568xf32, #tpu.memory_space<hbm>> -> memref<1568xf32, #tpu.memory_space<hbm>>
      %dma_wait3A_95 = arith.constant 0 : i32
      %dma_wait3A_96 = tpu.memref_slice %arg6[%run_scoped3A_77, %dma_wait3A_95] : memref<2x1568xf32, #tpu.memory_space<vmem>> -> memref<1x1568xf32, #tpu.memory_space<vmem>>
      %dma_wait3A_97 = tpu.memref_squeeze %dma_wait3A_96 : memref<1x1568xf32, #tpu.memory_space<vmem>> -> memref<1568xf32, #tpu.memory_space<vmem>>
      tpu.wait_dma2 semaphore(%run_scoped3A_79 : memref<!tpu.dma_semaphore, #tpu.memory_space<semaphore_mem>>) src(%dma_wait3A_97 : memref<1568xf32, #tpu.memory_space<vmem>>) dst(%dma_wait3A_94 : memref<1568xf32, #tpu.memory_space<hbm>>)
      tpu.yield
    }) : () -> ()
    return
  }
}

module attributes {stable_mosaic.version = 14 : i64} {
  func.func @_setup_body(%arg0: memref<2x2xf32, #tpu.memory_space<smem>>, %arg1: memref<17x16xf32, #tpu.memory_space<smem>>) attributes {dimension_semantics = [], scalar_prefetch = 0 : i64, scratch_operands = 0 : i64, tpu.core_type = #tpu.core_type<tc>} {
    %get3A = arith.constant 0 : index
    %get3A_0 = arith.constant 0 : index
    %get3A_1 = memref.load %arg0[%get3A, %get3A_0] : memref<2x2xf32, #tpu.memory_space<smem>>
    %get3A_2 = arith.constant 0 : index
    %get3A_3 = arith.constant 1 : index
    %get3A_4 = memref.load %arg0[%get3A_2, %get3A_3] : memref<2x2xf32, #tpu.memory_space<smem>>
    %get3A_5 = arith.constant 1 : index
    %get3A_6 = arith.constant 0 : index
    %get3A_7 = memref.load %arg0[%get3A_5, %get3A_6] : memref<2x2xf32, #tpu.memory_space<smem>>
    %get3A_8 = arith.constant 1 : index
    %get3A_9 = arith.constant 1 : index
    %get3A_10 = memref.load %arg0[%get3A_8, %get3A_9] : memref<2x2xf32, #tpu.memory_space<smem>>
    %sub3A = arith.subf %get3A_1, %get3A_7 : f32
    %sub3A_11 = arith.subf %get3A_4, %get3A_10 : f32
    %mul3A = arith.mulf %sub3A, %sub3A : f32
    %mul3A_12 = arith.mulf %sub3A_11, %sub3A_11 : f32
    %add3A = arith.addf %mul3A, %mul3A_12 : f32
    %add3A_13 = arith.constant 1.000000e-07 : f32
    %add3A_14 = arith.addf %add3A, %add3A_13 : f32
    %sqrt3A = math.sqrt %add3A_14 : f32
    %mul3A_15 = arith.mulf %sub3A, %sub3A : f32
    %mul3A_16 = arith.mulf %sub3A_11, %sub3A_11 : f32
    %add3A_17 = arith.addf %mul3A_15, %mul3A_16 : f32
    %add3A_18 = arith.constant 1.000000e-07 : f32
    %add3A_19 = arith.addf %add3A_17, %add3A_18 : f32
    %sqrt3A_20 = math.sqrt %add3A_19 : f32
    %div3A = arith.divf %sqrt3A, %sqrt3A_20 : f32
    %div3A_21 = arith.divf %sqrt3A_20, %sqrt3A : f32
    %mul3A_22 = arith.mulf %div3A, %sub3A : f32
    %sub3A_23 = arith.subf %get3A_1, %mul3A_22 : f32
    %mul3A_24 = arith.mulf %div3A, %sub3A_11 : f32
    %sub3A_25 = arith.subf %get3A_4, %mul3A_24 : f32
    %sub3A_26 = arith.subf %get3A_7, %get3A_1 : f32
    %mul3A_27 = arith.mulf %div3A_21, %sub3A_26 : f32
    %add3A_28 = arith.addf %get3A_1, %mul3A_27 : f32
    %sub3A_29 = arith.subf %get3A_10, %get3A_4 : f32
    %mul3A_30 = arith.mulf %div3A_21, %sub3A_29 : f32
    %add3A_31 = arith.addf %get3A_4, %mul3A_30 : f32
    %sub3A_32 = arith.subf %get3A_1, %sub3A_23 : f32
    %sub3A_33 = arith.subf %get3A_4, %sub3A_25 : f32
    %mul3A_34 = arith.mulf %sub3A_32, %sub3A_32 : f32
    %mul3A_35 = arith.mulf %sub3A_33, %sub3A_33 : f32
    %add3A_36 = arith.addf %mul3A_34, %mul3A_35 : f32
    %sqrt3A_37 = math.sqrt %add3A_36 : f32
    %sqrt3A_38 = math.sqrt %sqrt3A_37 : f32
    %add3A_39 = arith.constant 0.000000e+00 : f32
    %add3A_40 = arith.addf %add3A_39, %sqrt3A_38 : f32
    %sub3A_41 = arith.subf %get3A_7, %get3A_1 : f32
    %sub3A_42 = arith.subf %get3A_10, %get3A_4 : f32
    %mul3A_43 = arith.mulf %sub3A_41, %sub3A_41 : f32
    %mul3A_44 = arith.mulf %sub3A_42, %sub3A_42 : f32
    %add3A_45 = arith.addf %mul3A_43, %mul3A_44 : f32
    %sqrt3A_46 = math.sqrt %add3A_45 : f32
    %sqrt3A_47 = math.sqrt %sqrt3A_46 : f32
    %add3A_48 = arith.addf %add3A_40, %sqrt3A_47 : f32
    %sub3A_49 = arith.subf %get3A_1, %get3A_7 : f32
    %sub3A_50 = arith.subf %get3A_4, %get3A_10 : f32
    %mul3A_51 = arith.mulf %sub3A_49, %sub3A_49 : f32
    %mul3A_52 = arith.mulf %sub3A_50, %sub3A_50 : f32
    %add3A_53 = arith.addf %mul3A_51, %mul3A_52 : f32
    %sqrt3A_54 = math.sqrt %add3A_53 : f32
    %sqrt3A_55 = math.sqrt %sqrt3A_54 : f32
    %add3A_56 = arith.addf %add3A_48, %sqrt3A_55 : f32
    %sub3A_57 = arith.subf %add3A_28, %get3A_1 : f32
    %sub3A_58 = arith.subf %add3A_31, %get3A_4 : f32
    %mul3A_59 = arith.mulf %sub3A_57, %sub3A_57 : f32
    %mul3A_60 = arith.mulf %sub3A_58, %sub3A_58 : f32
    %add3A_61 = arith.addf %mul3A_59, %mul3A_60 : f32
    %sqrt3A_62 = math.sqrt %add3A_61 : f32
    %sqrt3A_63 = math.sqrt %sqrt3A_62 : f32
    %add3A_64 = arith.addf %add3A_56, %sqrt3A_63 : f32
    %sub3A_65 = arith.constant 0.000000e+00 : f32
    %sub3A_66 = arith.subf %add3A_40, %sub3A_65 : f32
    %div3A_67 = arith.constant 1.000000e+00 : f32
    %div3A_68 = arith.divf %div3A_67, %sub3A_66 : f32
    %mul3A_69 = arith.mulf %add3A_40, %sub3A_23 : f32
    %sub3A_70 = arith.constant 0.000000e+00 : f32
    %sub3A_71 = arith.subf %mul3A_69, %sub3A_70 : f32
    %add3A_72 = arith.constant 0.000000e+00 : f32
    %add3A_73 = arith.addf %sub3A_71, %add3A_72 : f32
    %mul3A_74 = arith.constant 0.000000e+00 : f32
    %mul3A_75 = arith.mulf %mul3A_74, %get3A_1 : f32
    %sub3A_76 = arith.subf %add3A_73, %mul3A_75 : f32
    %mul3A_77 = arith.mulf %sub3A_76, %div3A_68 : f32
    %mul3A_78 = arith.constant 0.000000e+00 : f32
    %mul3A_79 = arith.mulf %add3A_40, %mul3A_78 : f32
    %sub3A_80 = arith.subf %mul3A_79, %sub3A_23 : f32
    %add3A_81 = arith.addf %sub3A_80, %get3A_1 : f32
    %mul3A_82 = arith.constant 0.000000e+00 : f32
    %mul3A_83 = arith.constant 0.000000e+00 : f32
    %mul3A_84 = arith.mulf %mul3A_82, %mul3A_83 : f32
    %sub3A_85 = arith.subf %add3A_81, %mul3A_84 : f32
    %mul3A_86 = arith.mulf %sub3A_85, %div3A_68 : f32
    %mul3A_87 = arith.constant 0.000000e+00 : f32
    %mul3A_88 = arith.mulf %add3A_40, %mul3A_87 : f32
    %sub3A_89 = arith.constant 0.000000e+00 : f32
    %sub3A_90 = arith.subf %mul3A_88, %sub3A_89 : f32
    %add3A_91 = arith.constant 0.000000e+00 : f32
    %add3A_92 = arith.addf %sub3A_90, %add3A_91 : f32
    %mul3A_93 = arith.constant 0.000000e+00 : f32
    %mul3A_94 = arith.constant 0.000000e+00 : f32
    %mul3A_95 = arith.mulf %mul3A_93, %mul3A_94 : f32
    %sub3A_96 = arith.subf %add3A_92, %mul3A_95 : f32
    %mul3A_97 = arith.mulf %sub3A_96, %div3A_68 : f32
    %mul3A_98 = arith.constant 0.000000e+00 : f32
    %mul3A_99 = arith.mulf %add3A_40, %mul3A_98 : f32
    %sub3A_100 = arith.constant 0.000000e+00 : f32
    %sub3A_101 = arith.subf %mul3A_99, %sub3A_100 : f32
    %add3A_102 = arith.constant 0.000000e+00 : f32
    %add3A_103 = arith.addf %sub3A_101, %add3A_102 : f32
    %mul3A_104 = arith.constant 0.000000e+00 : f32
    %mul3A_105 = arith.constant 0.000000e+00 : f32
    %mul3A_106 = arith.mulf %mul3A_104, %mul3A_105 : f32
    %sub3A_107 = arith.subf %add3A_103, %mul3A_106 : f32
    %mul3A_108 = arith.mulf %sub3A_107, %div3A_68 : f32
    %sub3A_109 = arith.subf %add3A_48, %add3A_40 : f32
    %div3A_110 = arith.constant 1.000000e+00 : f32
    %div3A_111 = arith.divf %div3A_110, %sub3A_109 : f32
    %mul3A_112 = arith.mulf %add3A_48, %get3A_1 : f32
    %sub3A_113 = arith.constant 0.000000e+00 : f32
    %sub3A_114 = arith.subf %mul3A_112, %sub3A_113 : f32
    %add3A_115 = arith.constant 0.000000e+00 : f32
    %add3A_116 = arith.addf %sub3A_114, %add3A_115 : f32
    %mul3A_117 = arith.mulf %add3A_40, %get3A_7 : f32
    %sub3A_118 = arith.subf %add3A_116, %mul3A_117 : f32
    %mul3A_119 = arith.mulf %sub3A_118, %div3A_111 : f32
    %mul3A_120 = arith.constant 0.000000e+00 : f32
    %mul3A_121 = arith.mulf %add3A_48, %mul3A_120 : f32
    %sub3A_122 = arith.subf %mul3A_121, %get3A_1 : f32
    %add3A_123 = arith.addf %sub3A_122, %get3A_7 : f32
    %mul3A_124 = arith.constant 0.000000e+00 : f32
    %mul3A_125 = arith.mulf %add3A_40, %mul3A_124 : f32
    %sub3A_126 = arith.subf %add3A_123, %mul3A_125 : f32
    %mul3A_127 = arith.mulf %sub3A_126, %div3A_111 : f32
    %mul3A_128 = arith.constant 0.000000e+00 : f32
    %mul3A_129 = arith.mulf %add3A_48, %mul3A_128 : f32
    %sub3A_130 = arith.constant 0.000000e+00 : f32
    %sub3A_131 = arith.subf %mul3A_129, %sub3A_130 : f32
    %add3A_132 = arith.constant 0.000000e+00 : f32
    %add3A_133 = arith.addf %sub3A_131, %add3A_132 : f32
    %mul3A_134 = arith.constant 0.000000e+00 : f32
    %mul3A_135 = arith.mulf %add3A_40, %mul3A_134 : f32
    %sub3A_136 = arith.subf %add3A_133, %mul3A_135 : f32
    %mul3A_137 = arith.mulf %sub3A_136, %div3A_111 : f32
    %mul3A_138 = arith.constant 0.000000e+00 : f32
    %mul3A_139 = arith.mulf %add3A_48, %mul3A_138 : f32
    %sub3A_140 = arith.constant 0.000000e+00 : f32
    %sub3A_141 = arith.subf %mul3A_139, %sub3A_140 : f32
    %add3A_142 = arith.constant 0.000000e+00 : f32
    %add3A_143 = arith.addf %sub3A_141, %add3A_142 : f32
    %mul3A_144 = arith.constant 0.000000e+00 : f32
    %mul3A_145 = arith.mulf %add3A_40, %mul3A_144 : f32
    %sub3A_146 = arith.subf %add3A_143, %mul3A_145 : f32
    %mul3A_147 = arith.mulf %sub3A_146, %div3A_111 : f32
    %sub3A_148 = arith.subf %add3A_56, %add3A_48 : f32
    %div3A_149 = arith.constant 1.000000e+00 : f32
    %div3A_150 = arith.divf %div3A_149, %sub3A_148 : f32
    %mul3A_151 = arith.mulf %add3A_56, %get3A_7 : f32
    %sub3A_152 = arith.constant 0.000000e+00 : f32
    %sub3A_153 = arith.subf %mul3A_151, %sub3A_152 : f32
    %add3A_154 = arith.constant 0.000000e+00 : f32
    %add3A_155 = arith.addf %sub3A_153, %add3A_154 : f32
    %mul3A_156 = arith.mulf %add3A_48, %get3A_1 : f32
    %sub3A_157 = arith.subf %add3A_155, %mul3A_156 : f32
    %mul3A_158 = arith.mulf %sub3A_157, %div3A_150 : f32
    %mul3A_159 = arith.constant 0.000000e+00 : f32
    %mul3A_160 = arith.mulf %add3A_56, %mul3A_159 : f32
    %sub3A_161 = arith.subf %mul3A_160, %get3A_7 : f32
    %add3A_162 = arith.addf %sub3A_161, %get3A_1 : f32
    %mul3A_163 = arith.constant 0.000000e+00 : f32
    %mul3A_164 = arith.mulf %add3A_48, %mul3A_163 : f32
    %sub3A_165 = arith.subf %add3A_162, %mul3A_164 : f32
    %mul3A_166 = arith.mulf %sub3A_165, %div3A_150 : f32
    %mul3A_167 = arith.constant 0.000000e+00 : f32
    %mul3A_168 = arith.mulf %add3A_56, %mul3A_167 : f32
    %sub3A_169 = arith.constant 0.000000e+00 : f32
    %sub3A_170 = arith.subf %mul3A_168, %sub3A_169 : f32
    %add3A_171 = arith.constant 0.000000e+00 : f32
    %add3A_172 = arith.addf %sub3A_170, %add3A_171 : f32
    %mul3A_173 = arith.constant 0.000000e+00 : f32
    %mul3A_174 = arith.mulf %add3A_48, %mul3A_173 : f32
    %sub3A_175 = arith.subf %add3A_172, %mul3A_174 : f32
    %mul3A_176 = arith.mulf %sub3A_175, %div3A_150 : f32
    %mul3A_177 = arith.constant 0.000000e+00 : f32
    %mul3A_178 = arith.mulf %add3A_56, %mul3A_177 : f32
    %sub3A_179 = arith.constant 0.000000e+00 : f32
    %sub3A_180 = arith.subf %mul3A_178, %sub3A_179 : f32
    %add3A_181 = arith.constant 0.000000e+00 : f32
    %add3A_182 = arith.addf %sub3A_180, %add3A_181 : f32
    %mul3A_183 = arith.constant 0.000000e+00 : f32
    %mul3A_184 = arith.mulf %add3A_48, %mul3A_183 : f32
    %sub3A_185 = arith.subf %add3A_182, %mul3A_184 : f32
    %mul3A_186 = arith.mulf %sub3A_185, %div3A_150 : f32
    %sub3A_187 = arith.constant 0.000000e+00 : f32
    %sub3A_188 = arith.subf %add3A_48, %sub3A_187 : f32
    %div3A_189 = arith.constant 1.000000e+00 : f32
    %div3A_190 = arith.divf %div3A_189, %sub3A_188 : f32
    %mul3A_191 = arith.mulf %add3A_48, %mul3A_77 : f32
    %sub3A_192 = arith.constant 0.000000e+00 : f32
    %sub3A_193 = arith.subf %mul3A_191, %sub3A_192 : f32
    %add3A_194 = arith.constant 0.000000e+00 : f32
    %add3A_195 = arith.addf %sub3A_193, %add3A_194 : f32
    %mul3A_196 = arith.constant 0.000000e+00 : f32
    %mul3A_197 = arith.mulf %mul3A_196, %mul3A_119 : f32
    %sub3A_198 = arith.subf %add3A_195, %mul3A_197 : f32
    %mul3A_199 = arith.mulf %sub3A_198, %div3A_190 : f32
    %mul3A_200 = arith.mulf %add3A_48, %mul3A_86 : f32
    %sub3A_201 = arith.subf %mul3A_200, %mul3A_77 : f32
    %add3A_202 = arith.addf %sub3A_201, %mul3A_119 : f32
    %mul3A_203 = arith.constant 0.000000e+00 : f32
    %mul3A_204 = arith.mulf %mul3A_203, %mul3A_127 : f32
    %sub3A_205 = arith.subf %add3A_202, %mul3A_204 : f32
    %mul3A_206 = arith.mulf %sub3A_205, %div3A_190 : f32
    %mul3A_207 = arith.mulf %add3A_48, %mul3A_97 : f32
    %sub3A_208 = arith.subf %mul3A_207, %mul3A_86 : f32
    %add3A_209 = arith.addf %sub3A_208, %mul3A_127 : f32
    %mul3A_210 = arith.constant 0.000000e+00 : f32
    %mul3A_211 = arith.mulf %mul3A_210, %mul3A_137 : f32
    %sub3A_212 = arith.subf %add3A_209, %mul3A_211 : f32
    %mul3A_213 = arith.mulf %sub3A_212, %div3A_190 : f32
    %mul3A_214 = arith.mulf %add3A_48, %mul3A_108 : f32
    %sub3A_215 = arith.subf %mul3A_214, %mul3A_97 : f32
    %add3A_216 = arith.addf %sub3A_215, %mul3A_137 : f32
    %mul3A_217 = arith.constant 0.000000e+00 : f32
    %mul3A_218 = arith.mulf %mul3A_217, %mul3A_147 : f32
    %sub3A_219 = arith.subf %add3A_216, %mul3A_218 : f32
    %mul3A_220 = arith.mulf %sub3A_219, %div3A_190 : f32
    %sub3A_221 = arith.subf %add3A_56, %add3A_40 : f32
    %div3A_222 = arith.constant 1.000000e+00 : f32
    %div3A_223 = arith.divf %div3A_222, %sub3A_221 : f32
    %mul3A_224 = arith.mulf %add3A_56, %mul3A_119 : f32
    %sub3A_225 = arith.constant 0.000000e+00 : f32
    %sub3A_226 = arith.subf %mul3A_224, %sub3A_225 : f32
    %add3A_227 = arith.constant 0.000000e+00 : f32
    %add3A_228 = arith.addf %sub3A_226, %add3A_227 : f32
    %mul3A_229 = arith.mulf %add3A_40, %mul3A_158 : f32
    %sub3A_230 = arith.subf %add3A_228, %mul3A_229 : f32
    %mul3A_231 = arith.mulf %sub3A_230, %div3A_223 : f32
    %mul3A_232 = arith.mulf %add3A_56, %mul3A_127 : f32
    %sub3A_233 = arith.subf %mul3A_232, %mul3A_119 : f32
    %add3A_234 = arith.addf %sub3A_233, %mul3A_158 : f32
    %mul3A_235 = arith.mulf %add3A_40, %mul3A_166 : f32
    %sub3A_236 = arith.subf %add3A_234, %mul3A_235 : f32
    %mul3A_237 = arith.mulf %sub3A_236, %div3A_223 : f32
    %mul3A_238 = arith.mulf %add3A_56, %mul3A_137 : f32
    %sub3A_239 = arith.subf %mul3A_238, %mul3A_127 : f32
    %add3A_240 = arith.addf %sub3A_239, %mul3A_166 : f32
    %mul3A_241 = arith.mulf %add3A_40, %mul3A_176 : f32
    %sub3A_242 = arith.subf %add3A_240, %mul3A_241 : f32
    %mul3A_243 = arith.mulf %sub3A_242, %div3A_223 : f32
    %mul3A_244 = arith.mulf %add3A_56, %mul3A_147 : f32
    %sub3A_245 = arith.subf %mul3A_244, %mul3A_137 : f32
    %add3A_246 = arith.addf %sub3A_245, %mul3A_176 : f32
    %mul3A_247 = arith.mulf %add3A_40, %mul3A_186 : f32
    %sub3A_248 = arith.subf %add3A_246, %mul3A_247 : f32
    %mul3A_249 = arith.mulf %sub3A_248, %div3A_223 : f32
    %sub3A_250 = arith.subf %add3A_48, %add3A_40 : f32
    %div3A_251 = arith.constant 1.000000e+00 : f32
    %div3A_252 = arith.divf %div3A_251, %sub3A_250 : f32
    %mul3A_253 = arith.mulf %add3A_48, %mul3A_199 : f32
    %sub3A_254 = arith.constant 0.000000e+00 : f32
    %sub3A_255 = arith.subf %mul3A_253, %sub3A_254 : f32
    %add3A_256 = arith.constant 0.000000e+00 : f32
    %add3A_257 = arith.addf %sub3A_255, %add3A_256 : f32
    %mul3A_258 = arith.mulf %add3A_40, %mul3A_231 : f32
    %sub3A_259 = arith.subf %add3A_257, %mul3A_258 : f32
    %mul3A_260 = arith.mulf %sub3A_259, %div3A_252 : f32
    %mul3A_261 = arith.mulf %add3A_48, %mul3A_206 : f32
    %sub3A_262 = arith.subf %mul3A_261, %mul3A_199 : f32
    %add3A_263 = arith.addf %sub3A_262, %mul3A_231 : f32
    %mul3A_264 = arith.mulf %add3A_40, %mul3A_237 : f32
    %sub3A_265 = arith.subf %add3A_263, %mul3A_264 : f32
    %mul3A_266 = arith.mulf %sub3A_265, %div3A_252 : f32
    %mul3A_267 = arith.mulf %add3A_48, %mul3A_213 : f32
    %sub3A_268 = arith.subf %mul3A_267, %mul3A_206 : f32
    %add3A_269 = arith.addf %sub3A_268, %mul3A_237 : f32
    %mul3A_270 = arith.mulf %add3A_40, %mul3A_243 : f32
    %sub3A_271 = arith.subf %add3A_269, %mul3A_270 : f32
    %mul3A_272 = arith.mulf %sub3A_271, %div3A_252 : f32
    %mul3A_273 = arith.mulf %add3A_48, %mul3A_220 : f32
    %sub3A_274 = arith.subf %mul3A_273, %mul3A_213 : f32
    %add3A_275 = arith.addf %sub3A_274, %mul3A_243 : f32
    %mul3A_276 = arith.mulf %add3A_40, %mul3A_249 : f32
    %sub3A_277 = arith.subf %add3A_275, %mul3A_276 : f32
    %mul3A_278 = arith.mulf %sub3A_277, %div3A_252 : f32
    %sub3A_279 = arith.constant 0.000000e+00 : f32
    %sub3A_280 = arith.subf %add3A_40, %sub3A_279 : f32
    %div3A_281 = arith.constant 1.000000e+00 : f32
    %div3A_282 = arith.divf %div3A_281, %sub3A_280 : f32
    %mul3A_283 = arith.mulf %add3A_40, %sub3A_25 : f32
    %sub3A_284 = arith.constant 0.000000e+00 : f32
    %sub3A_285 = arith.subf %mul3A_283, %sub3A_284 : f32
    %add3A_286 = arith.constant 0.000000e+00 : f32
    %add3A_287 = arith.addf %sub3A_285, %add3A_286 : f32
    %mul3A_288 = arith.constant 0.000000e+00 : f32
    %mul3A_289 = arith.mulf %mul3A_288, %get3A_4 : f32
    %sub3A_290 = arith.subf %add3A_287, %mul3A_289 : f32
    %mul3A_291 = arith.mulf %sub3A_290, %div3A_282 : f32
    %mul3A_292 = arith.constant 0.000000e+00 : f32
    %mul3A_293 = arith.mulf %add3A_40, %mul3A_292 : f32
    %sub3A_294 = arith.subf %mul3A_293, %sub3A_25 : f32
    %add3A_295 = arith.addf %sub3A_294, %get3A_4 : f32
    %mul3A_296 = arith.constant 0.000000e+00 : f32
    %mul3A_297 = arith.constant 0.000000e+00 : f32
    %mul3A_298 = arith.mulf %mul3A_296, %mul3A_297 : f32
    %sub3A_299 = arith.subf %add3A_295, %mul3A_298 : f32
    %mul3A_300 = arith.mulf %sub3A_299, %div3A_282 : f32
    %mul3A_301 = arith.constant 0.000000e+00 : f32
    %mul3A_302 = arith.mulf %add3A_40, %mul3A_301 : f32
    %sub3A_303 = arith.constant 0.000000e+00 : f32
    %sub3A_304 = arith.subf %mul3A_302, %sub3A_303 : f32
    %add3A_305 = arith.constant 0.000000e+00 : f32
    %add3A_306 = arith.addf %sub3A_304, %add3A_305 : f32
    %mul3A_307 = arith.constant 0.000000e+00 : f32
    %mul3A_308 = arith.constant 0.000000e+00 : f32
    %mul3A_309 = arith.mulf %mul3A_307, %mul3A_308 : f32
    %sub3A_310 = arith.subf %add3A_306, %mul3A_309 : f32
    %mul3A_311 = arith.mulf %sub3A_310, %div3A_282 : f32
    %mul3A_312 = arith.constant 0.000000e+00 : f32
    %mul3A_313 = arith.mulf %add3A_40, %mul3A_312 : f32
    %sub3A_314 = arith.constant 0.000000e+00 : f32
    %sub3A_315 = arith.subf %mul3A_313, %sub3A_314 : f32
    %add3A_316 = arith.constant 0.000000e+00 : f32
    %add3A_317 = arith.addf %sub3A_315, %add3A_316 : f32
    %mul3A_318 = arith.constant 0.000000e+00 : f32
    %mul3A_319 = arith.constant 0.000000e+00 : f32
    %mul3A_320 = arith.mulf %mul3A_318, %mul3A_319 : f32
    %sub3A_321 = arith.subf %add3A_317, %mul3A_320 : f32
    %mul3A_322 = arith.mulf %sub3A_321, %div3A_282 : f32
    %sub3A_323 = arith.subf %add3A_48, %add3A_40 : f32
    %div3A_324 = arith.constant 1.000000e+00 : f32
    %div3A_325 = arith.divf %div3A_324, %sub3A_323 : f32
    %mul3A_326 = arith.mulf %add3A_48, %get3A_4 : f32
    %sub3A_327 = arith.constant 0.000000e+00 : f32
    %sub3A_328 = arith.subf %mul3A_326, %sub3A_327 : f32
    %add3A_329 = arith.constant 0.000000e+00 : f32
    %add3A_330 = arith.addf %sub3A_328, %add3A_329 : f32
    %mul3A_331 = arith.mulf %add3A_40, %get3A_10 : f32
    %sub3A_332 = arith.subf %add3A_330, %mul3A_331 : f32
    %mul3A_333 = arith.mulf %sub3A_332, %div3A_325 : f32
    %mul3A_334 = arith.constant 0.000000e+00 : f32
    %mul3A_335 = arith.mulf %add3A_48, %mul3A_334 : f32
    %sub3A_336 = arith.subf %mul3A_335, %get3A_4 : f32
    %add3A_337 = arith.addf %sub3A_336, %get3A_10 : f32
    %mul3A_338 = arith.constant 0.000000e+00 : f32
    %mul3A_339 = arith.mulf %add3A_40, %mul3A_338 : f32
    %sub3A_340 = arith.subf %add3A_337, %mul3A_339 : f32
    %mul3A_341 = arith.mulf %sub3A_340, %div3A_325 : f32
    %mul3A_342 = arith.constant 0.000000e+00 : f32
    %mul3A_343 = arith.mulf %add3A_48, %mul3A_342 : f32
    %sub3A_344 = arith.constant 0.000000e+00 : f32
    %sub3A_345 = arith.subf %mul3A_343, %sub3A_344 : f32
    %add3A_346 = arith.constant 0.000000e+00 : f32
    %add3A_347 = arith.addf %sub3A_345, %add3A_346 : f32
    %mul3A_348 = arith.constant 0.000000e+00 : f32
    %mul3A_349 = arith.mulf %add3A_40, %mul3A_348 : f32
    %sub3A_350 = arith.subf %add3A_347, %mul3A_349 : f32
    %mul3A_351 = arith.mulf %sub3A_350, %div3A_325 : f32
    %mul3A_352 = arith.constant 0.000000e+00 : f32
    %mul3A_353 = arith.mulf %add3A_48, %mul3A_352 : f32
    %sub3A_354 = arith.constant 0.000000e+00 : f32
    %sub3A_355 = arith.subf %mul3A_353, %sub3A_354 : f32
    %add3A_356 = arith.constant 0.000000e+00 : f32
    %add3A_357 = arith.addf %sub3A_355, %add3A_356 : f32
    %mul3A_358 = arith.constant 0.000000e+00 : f32
    %mul3A_359 = arith.mulf %add3A_40, %mul3A_358 : f32
    %sub3A_360 = arith.subf %add3A_357, %mul3A_359 : f32
    %mul3A_361 = arith.mulf %sub3A_360, %div3A_325 : f32
    %sub3A_362 = arith.subf %add3A_56, %add3A_48 : f32
    %div3A_363 = arith.constant 1.000000e+00 : f32
    %div3A_364 = arith.divf %div3A_363, %sub3A_362 : f32
    %mul3A_365 = arith.mulf %add3A_56, %get3A_10 : f32
    %sub3A_366 = arith.constant 0.000000e+00 : f32
    %sub3A_367 = arith.subf %mul3A_365, %sub3A_366 : f32
    %add3A_368 = arith.constant 0.000000e+00 : f32
    %add3A_369 = arith.addf %sub3A_367, %add3A_368 : f32
    %mul3A_370 = arith.mulf %add3A_48, %get3A_4 : f32
    %sub3A_371 = arith.subf %add3A_369, %mul3A_370 : f32
    %mul3A_372 = arith.mulf %sub3A_371, %div3A_364 : f32
    %mul3A_373 = arith.constant 0.000000e+00 : f32
    %mul3A_374 = arith.mulf %add3A_56, %mul3A_373 : f32
    %sub3A_375 = arith.subf %mul3A_374, %get3A_10 : f32
    %add3A_376 = arith.addf %sub3A_375, %get3A_4 : f32
    %mul3A_377 = arith.constant 0.000000e+00 : f32
    %mul3A_378 = arith.mulf %add3A_48, %mul3A_377 : f32
    %sub3A_379 = arith.subf %add3A_376, %mul3A_378 : f32
    %mul3A_380 = arith.mulf %sub3A_379, %div3A_364 : f32
    %mul3A_381 = arith.constant 0.000000e+00 : f32
    %mul3A_382 = arith.mulf %add3A_56, %mul3A_381 : f32
    %sub3A_383 = arith.constant 0.000000e+00 : f32
    %sub3A_384 = arith.subf %mul3A_382, %sub3A_383 : f32
    %add3A_385 = arith.constant 0.000000e+00 : f32
    %add3A_386 = arith.addf %sub3A_384, %add3A_385 : f32
    %mul3A_387 = arith.constant 0.000000e+00 : f32
    %mul3A_388 = arith.mulf %add3A_48, %mul3A_387 : f32
    %sub3A_389 = arith.subf %add3A_386, %mul3A_388 : f32
    %mul3A_390 = arith.mulf %sub3A_389, %div3A_364 : f32
    %mul3A_391 = arith.constant 0.000000e+00 : f32
    %mul3A_392 = arith.mulf %add3A_56, %mul3A_391 : f32
    %sub3A_393 = arith.constant 0.000000e+00 : f32
    %sub3A_394 = arith.subf %mul3A_392, %sub3A_393 : f32
    %add3A_395 = arith.constant 0.000000e+00 : f32
    %add3A_396 = arith.addf %sub3A_394, %add3A_395 : f32
    %mul3A_397 = arith.constant 0.000000e+00 : f32
    %mul3A_398 = arith.mulf %add3A_48, %mul3A_397 : f32
    %sub3A_399 = arith.subf %add3A_396, %mul3A_398 : f32
    %mul3A_400 = arith.mulf %sub3A_399, %div3A_364 : f32
    %sub3A_401 = arith.constant 0.000000e+00 : f32
    %sub3A_402 = arith.subf %add3A_48, %sub3A_401 : f32
    %div3A_403 = arith.constant 1.000000e+00 : f32
    %div3A_404 = arith.divf %div3A_403, %sub3A_402 : f32
    %mul3A_405 = arith.mulf %add3A_48, %mul3A_291 : f32
    %sub3A_406 = arith.constant 0.000000e+00 : f32
    %sub3A_407 = arith.subf %mul3A_405, %sub3A_406 : f32
    %add3A_408 = arith.constant 0.000000e+00 : f32
    %add3A_409 = arith.addf %sub3A_407, %add3A_408 : f32
    %mul3A_410 = arith.constant 0.000000e+00 : f32
    %mul3A_411 = arith.mulf %mul3A_410, %mul3A_333 : f32
    %sub3A_412 = arith.subf %add3A_409, %mul3A_411 : f32
    %mul3A_413 = arith.mulf %sub3A_412, %div3A_404 : f32
    %mul3A_414 = arith.mulf %add3A_48, %mul3A_300 : f32
    %sub3A_415 = arith.subf %mul3A_414, %mul3A_291 : f32
    %add3A_416 = arith.addf %sub3A_415, %mul3A_333 : f32
    %mul3A_417 = arith.constant 0.000000e+00 : f32
    %mul3A_418 = arith.mulf %mul3A_417, %mul3A_341 : f32
    %sub3A_419 = arith.subf %add3A_416, %mul3A_418 : f32
    %mul3A_420 = arith.mulf %sub3A_419, %div3A_404 : f32
    %mul3A_421 = arith.mulf %add3A_48, %mul3A_311 : f32
    %sub3A_422 = arith.subf %mul3A_421, %mul3A_300 : f32
    %add3A_423 = arith.addf %sub3A_422, %mul3A_341 : f32
    %mul3A_424 = arith.constant 0.000000e+00 : f32
    %mul3A_425 = arith.mulf %mul3A_424, %mul3A_351 : f32
    %sub3A_426 = arith.subf %add3A_423, %mul3A_425 : f32
    %mul3A_427 = arith.mulf %sub3A_426, %div3A_404 : f32
    %mul3A_428 = arith.mulf %add3A_48, %mul3A_322 : f32
    %sub3A_429 = arith.subf %mul3A_428, %mul3A_311 : f32
    %add3A_430 = arith.addf %sub3A_429, %mul3A_351 : f32
    %mul3A_431 = arith.constant 0.000000e+00 : f32
    %mul3A_432 = arith.mulf %mul3A_431, %mul3A_361 : f32
    %sub3A_433 = arith.subf %add3A_430, %mul3A_432 : f32
    %mul3A_434 = arith.mulf %sub3A_433, %div3A_404 : f32
    %sub3A_435 = arith.subf %add3A_56, %add3A_40 : f32
    %div3A_436 = arith.constant 1.000000e+00 : f32
    %div3A_437 = arith.divf %div3A_436, %sub3A_435 : f32
    %mul3A_438 = arith.mulf %add3A_56, %mul3A_333 : f32
    %sub3A_439 = arith.constant 0.000000e+00 : f32
    %sub3A_440 = arith.subf %mul3A_438, %sub3A_439 : f32
    %add3A_441 = arith.constant 0.000000e+00 : f32
    %add3A_442 = arith.addf %sub3A_440, %add3A_441 : f32
    %mul3A_443 = arith.mulf %add3A_40, %mul3A_372 : f32
    %sub3A_444 = arith.subf %add3A_442, %mul3A_443 : f32
    %mul3A_445 = arith.mulf %sub3A_444, %div3A_437 : f32
    %mul3A_446 = arith.mulf %add3A_56, %mul3A_341 : f32
    %sub3A_447 = arith.subf %mul3A_446, %mul3A_333 : f32
    %add3A_448 = arith.addf %sub3A_447, %mul3A_372 : f32
    %mul3A_449 = arith.mulf %add3A_40, %mul3A_380 : f32
    %sub3A_450 = arith.subf %add3A_448, %mul3A_449 : f32
    %mul3A_451 = arith.mulf %sub3A_450, %div3A_437 : f32
    %mul3A_452 = arith.mulf %add3A_56, %mul3A_351 : f32
    %sub3A_453 = arith.subf %mul3A_452, %mul3A_341 : f32
    %add3A_454 = arith.addf %sub3A_453, %mul3A_380 : f32
    %mul3A_455 = arith.mulf %add3A_40, %mul3A_390 : f32
    %sub3A_456 = arith.subf %add3A_454, %mul3A_455 : f32
    %mul3A_457 = arith.mulf %sub3A_456, %div3A_437 : f32
    %mul3A_458 = arith.mulf %add3A_56, %mul3A_361 : f32
    %sub3A_459 = arith.subf %mul3A_458, %mul3A_351 : f32
    %add3A_460 = arith.addf %sub3A_459, %mul3A_390 : f32
    %mul3A_461 = arith.mulf %add3A_40, %mul3A_400 : f32
    %sub3A_462 = arith.subf %add3A_460, %mul3A_461 : f32
    %mul3A_463 = arith.mulf %sub3A_462, %div3A_437 : f32
    %sub3A_464 = arith.subf %add3A_48, %add3A_40 : f32
    %div3A_465 = arith.constant 1.000000e+00 : f32
    %div3A_466 = arith.divf %div3A_465, %sub3A_464 : f32
    %mul3A_467 = arith.mulf %add3A_48, %mul3A_413 : f32
    %sub3A_468 = arith.constant 0.000000e+00 : f32
    %sub3A_469 = arith.subf %mul3A_467, %sub3A_468 : f32
    %add3A_470 = arith.constant 0.000000e+00 : f32
    %add3A_471 = arith.addf %sub3A_469, %add3A_470 : f32
    %mul3A_472 = arith.mulf %add3A_40, %mul3A_445 : f32
    %sub3A_473 = arith.subf %add3A_471, %mul3A_472 : f32
    %mul3A_474 = arith.mulf %sub3A_473, %div3A_466 : f32
    %mul3A_475 = arith.mulf %add3A_48, %mul3A_420 : f32
    %sub3A_476 = arith.subf %mul3A_475, %mul3A_413 : f32
    %add3A_477 = arith.addf %sub3A_476, %mul3A_445 : f32
    %mul3A_478 = arith.mulf %add3A_40, %mul3A_451 : f32
    %sub3A_479 = arith.subf %add3A_477, %mul3A_478 : f32
    %mul3A_480 = arith.mulf %sub3A_479, %div3A_466 : f32
    %mul3A_481 = arith.mulf %add3A_48, %mul3A_427 : f32
    %sub3A_482 = arith.subf %mul3A_481, %mul3A_420 : f32
    %add3A_483 = arith.addf %sub3A_482, %mul3A_451 : f32
    %mul3A_484 = arith.mulf %add3A_40, %mul3A_457 : f32
    %sub3A_485 = arith.subf %add3A_483, %mul3A_484 : f32
    %mul3A_486 = arith.mulf %sub3A_485, %div3A_466 : f32
    %mul3A_487 = arith.mulf %add3A_48, %mul3A_434 : f32
    %sub3A_488 = arith.subf %mul3A_487, %mul3A_427 : f32
    %add3A_489 = arith.addf %sub3A_488, %mul3A_457 : f32
    %mul3A_490 = arith.mulf %add3A_40, %mul3A_463 : f32
    %sub3A_491 = arith.subf %add3A_489, %mul3A_490 : f32
    %mul3A_492 = arith.mulf %sub3A_491, %div3A_466 : f32
    %sub3A_493 = arith.subf %add3A_48, %add3A_40 : f32
    %div3A_494 = arith.constant 1.000000e+00 : f32
    %div3A_495 = arith.divf %div3A_494, %sub3A_493 : f32
    %mul3A_496 = arith.mulf %add3A_48, %get3A_1 : f32
    %sub3A_497 = arith.constant 0.000000e+00 : f32
    %sub3A_498 = arith.subf %mul3A_496, %sub3A_497 : f32
    %add3A_499 = arith.constant 0.000000e+00 : f32
    %add3A_500 = arith.addf %sub3A_498, %add3A_499 : f32
    %mul3A_501 = arith.mulf %add3A_40, %get3A_7 : f32
    %sub3A_502 = arith.subf %add3A_500, %mul3A_501 : f32
    %mul3A_503 = arith.mulf %sub3A_502, %div3A_495 : f32
    %mul3A_504 = arith.constant 0.000000e+00 : f32
    %mul3A_505 = arith.mulf %add3A_48, %mul3A_504 : f32
    %sub3A_506 = arith.subf %mul3A_505, %get3A_1 : f32
    %add3A_507 = arith.addf %sub3A_506, %get3A_7 : f32
    %mul3A_508 = arith.constant 0.000000e+00 : f32
    %mul3A_509 = arith.mulf %add3A_40, %mul3A_508 : f32
    %sub3A_510 = arith.subf %add3A_507, %mul3A_509 : f32
    %mul3A_511 = arith.mulf %sub3A_510, %div3A_495 : f32
    %mul3A_512 = arith.constant 0.000000e+00 : f32
    %mul3A_513 = arith.mulf %add3A_48, %mul3A_512 : f32
    %sub3A_514 = arith.constant 0.000000e+00 : f32
    %sub3A_515 = arith.subf %mul3A_513, %sub3A_514 : f32
    %add3A_516 = arith.constant 0.000000e+00 : f32
    %add3A_517 = arith.addf %sub3A_515, %add3A_516 : f32
    %mul3A_518 = arith.constant 0.000000e+00 : f32
    %mul3A_519 = arith.mulf %add3A_40, %mul3A_518 : f32
    %sub3A_520 = arith.subf %add3A_517, %mul3A_519 : f32
    %mul3A_521 = arith.mulf %sub3A_520, %div3A_495 : f32
    %mul3A_522 = arith.constant 0.000000e+00 : f32
    %mul3A_523 = arith.mulf %add3A_48, %mul3A_522 : f32
    %sub3A_524 = arith.constant 0.000000e+00 : f32
    %sub3A_525 = arith.subf %mul3A_523, %sub3A_524 : f32
    %add3A_526 = arith.constant 0.000000e+00 : f32
    %add3A_527 = arith.addf %sub3A_525, %add3A_526 : f32
    %mul3A_528 = arith.constant 0.000000e+00 : f32
    %mul3A_529 = arith.mulf %add3A_40, %mul3A_528 : f32
    %sub3A_530 = arith.subf %add3A_527, %mul3A_529 : f32
    %mul3A_531 = arith.mulf %sub3A_530, %div3A_495 : f32
    %sub3A_532 = arith.subf %add3A_56, %add3A_48 : f32
    %div3A_533 = arith.constant 1.000000e+00 : f32
    %div3A_534 = arith.divf %div3A_533, %sub3A_532 : f32
    %mul3A_535 = arith.mulf %add3A_56, %get3A_7 : f32
    %sub3A_536 = arith.constant 0.000000e+00 : f32
    %sub3A_537 = arith.subf %mul3A_535, %sub3A_536 : f32
    %add3A_538 = arith.constant 0.000000e+00 : f32
    %add3A_539 = arith.addf %sub3A_537, %add3A_538 : f32
    %mul3A_540 = arith.mulf %add3A_48, %get3A_1 : f32
    %sub3A_541 = arith.subf %add3A_539, %mul3A_540 : f32
    %mul3A_542 = arith.mulf %sub3A_541, %div3A_534 : f32
    %mul3A_543 = arith.constant 0.000000e+00 : f32
    %mul3A_544 = arith.mulf %add3A_56, %mul3A_543 : f32
    %sub3A_545 = arith.subf %mul3A_544, %get3A_7 : f32
    %add3A_546 = arith.addf %sub3A_545, %get3A_1 : f32
    %mul3A_547 = arith.constant 0.000000e+00 : f32
    %mul3A_548 = arith.mulf %add3A_48, %mul3A_547 : f32
    %sub3A_549 = arith.subf %add3A_546, %mul3A_548 : f32
    %mul3A_550 = arith.mulf %sub3A_549, %div3A_534 : f32
    %mul3A_551 = arith.constant 0.000000e+00 : f32
    %mul3A_552 = arith.mulf %add3A_56, %mul3A_551 : f32
    %sub3A_553 = arith.constant 0.000000e+00 : f32
    %sub3A_554 = arith.subf %mul3A_552, %sub3A_553 : f32
    %add3A_555 = arith.constant 0.000000e+00 : f32
    %add3A_556 = arith.addf %sub3A_554, %add3A_555 : f32
    %mul3A_557 = arith.constant 0.000000e+00 : f32
    %mul3A_558 = arith.mulf %add3A_48, %mul3A_557 : f32
    %sub3A_559 = arith.subf %add3A_556, %mul3A_558 : f32
    %mul3A_560 = arith.mulf %sub3A_559, %div3A_534 : f32
    %mul3A_561 = arith.constant 0.000000e+00 : f32
    %mul3A_562 = arith.mulf %add3A_56, %mul3A_561 : f32
    %sub3A_563 = arith.constant 0.000000e+00 : f32
    %sub3A_564 = arith.subf %mul3A_562, %sub3A_563 : f32
    %add3A_565 = arith.constant 0.000000e+00 : f32
    %add3A_566 = arith.addf %sub3A_564, %add3A_565 : f32
    %mul3A_567 = arith.constant 0.000000e+00 : f32
    %mul3A_568 = arith.mulf %add3A_48, %mul3A_567 : f32
    %sub3A_569 = arith.subf %add3A_566, %mul3A_568 : f32
    %mul3A_570 = arith.mulf %sub3A_569, %div3A_534 : f32
    %sub3A_571 = arith.subf %add3A_64, %add3A_56 : f32
    %div3A_572 = arith.constant 1.000000e+00 : f32
    %div3A_573 = arith.divf %div3A_572, %sub3A_571 : f32
    %mul3A_574 = arith.mulf %add3A_64, %get3A_1 : f32
    %sub3A_575 = arith.constant 0.000000e+00 : f32
    %sub3A_576 = arith.subf %mul3A_574, %sub3A_575 : f32
    %add3A_577 = arith.constant 0.000000e+00 : f32
    %add3A_578 = arith.addf %sub3A_576, %add3A_577 : f32
    %mul3A_579 = arith.mulf %add3A_56, %add3A_28 : f32
    %sub3A_580 = arith.subf %add3A_578, %mul3A_579 : f32
    %mul3A_581 = arith.mulf %sub3A_580, %div3A_573 : f32
    %mul3A_582 = arith.constant 0.000000e+00 : f32
    %mul3A_583 = arith.mulf %add3A_64, %mul3A_582 : f32
    %sub3A_584 = arith.subf %mul3A_583, %get3A_1 : f32
    %add3A_585 = arith.addf %sub3A_584, %add3A_28 : f32
    %mul3A_586 = arith.constant 0.000000e+00 : f32
    %mul3A_587 = arith.mulf %add3A_56, %mul3A_586 : f32
    %sub3A_588 = arith.subf %add3A_585, %mul3A_587 : f32
    %mul3A_589 = arith.mulf %sub3A_588, %div3A_573 : f32
    %mul3A_590 = arith.constant 0.000000e+00 : f32
    %mul3A_591 = arith.mulf %add3A_64, %mul3A_590 : f32
    %sub3A_592 = arith.constant 0.000000e+00 : f32
    %sub3A_593 = arith.subf %mul3A_591, %sub3A_592 : f32
    %add3A_594 = arith.constant 0.000000e+00 : f32
    %add3A_595 = arith.addf %sub3A_593, %add3A_594 : f32
    %mul3A_596 = arith.constant 0.000000e+00 : f32
    %mul3A_597 = arith.mulf %add3A_56, %mul3A_596 : f32
    %sub3A_598 = arith.subf %add3A_595, %mul3A_597 : f32
    %mul3A_599 = arith.mulf %sub3A_598, %div3A_573 : f32
    %mul3A_600 = arith.constant 0.000000e+00 : f32
    %mul3A_601 = arith.mulf %add3A_64, %mul3A_600 : f32
    %sub3A_602 = arith.constant 0.000000e+00 : f32
    %sub3A_603 = arith.subf %mul3A_601, %sub3A_602 : f32
    %add3A_604 = arith.constant 0.000000e+00 : f32
    %add3A_605 = arith.addf %sub3A_603, %add3A_604 : f32
    %mul3A_606 = arith.constant 0.000000e+00 : f32
    %mul3A_607 = arith.mulf %add3A_56, %mul3A_606 : f32
    %sub3A_608 = arith.subf %add3A_605, %mul3A_607 : f32
    %mul3A_609 = arith.mulf %sub3A_608, %div3A_573 : f32
    %sub3A_610 = arith.subf %add3A_56, %add3A_40 : f32
    %div3A_611 = arith.constant 1.000000e+00 : f32
    %div3A_612 = arith.divf %div3A_611, %sub3A_610 : f32
    %mul3A_613 = arith.mulf %add3A_56, %mul3A_503 : f32
    %sub3A_614 = arith.constant 0.000000e+00 : f32
    %sub3A_615 = arith.subf %mul3A_613, %sub3A_614 : f32
    %add3A_616 = arith.constant 0.000000e+00 : f32
    %add3A_617 = arith.addf %sub3A_615, %add3A_616 : f32
    %mul3A_618 = arith.mulf %add3A_40, %mul3A_542 : f32
    %sub3A_619 = arith.subf %add3A_617, %mul3A_618 : f32
    %mul3A_620 = arith.mulf %sub3A_619, %div3A_612 : f32
    %mul3A_621 = arith.mulf %add3A_56, %mul3A_511 : f32
    %sub3A_622 = arith.subf %mul3A_621, %mul3A_503 : f32
    %add3A_623 = arith.addf %sub3A_622, %mul3A_542 : f32
    %mul3A_624 = arith.mulf %add3A_40, %mul3A_550 : f32
    %sub3A_625 = arith.subf %add3A_623, %mul3A_624 : f32
    %mul3A_626 = arith.mulf %sub3A_625, %div3A_612 : f32
    %mul3A_627 = arith.mulf %add3A_56, %mul3A_521 : f32
    %sub3A_628 = arith.subf %mul3A_627, %mul3A_511 : f32
    %add3A_629 = arith.addf %sub3A_628, %mul3A_550 : f32
    %mul3A_630 = arith.mulf %add3A_40, %mul3A_560 : f32
    %sub3A_631 = arith.subf %add3A_629, %mul3A_630 : f32
    %mul3A_632 = arith.mulf %sub3A_631, %div3A_612 : f32
    %mul3A_633 = arith.mulf %add3A_56, %mul3A_531 : f32
    %sub3A_634 = arith.subf %mul3A_633, %mul3A_521 : f32
    %add3A_635 = arith.addf %sub3A_634, %mul3A_560 : f32
    %mul3A_636 = arith.mulf %add3A_40, %mul3A_570 : f32
    %sub3A_637 = arith.subf %add3A_635, %mul3A_636 : f32
    %mul3A_638 = arith.mulf %sub3A_637, %div3A_612 : f32
    %sub3A_639 = arith.subf %add3A_64, %add3A_48 : f32
    %div3A_640 = arith.constant 1.000000e+00 : f32
    %div3A_641 = arith.divf %div3A_640, %sub3A_639 : f32
    %mul3A_642 = arith.mulf %add3A_64, %mul3A_542 : f32
    %sub3A_643 = arith.constant 0.000000e+00 : f32
    %sub3A_644 = arith.subf %mul3A_642, %sub3A_643 : f32
    %add3A_645 = arith.constant 0.000000e+00 : f32
    %add3A_646 = arith.addf %sub3A_644, %add3A_645 : f32
    %mul3A_647 = arith.mulf %add3A_48, %mul3A_581 : f32
    %sub3A_648 = arith.subf %add3A_646, %mul3A_647 : f32
    %mul3A_649 = arith.mulf %sub3A_648, %div3A_641 : f32
    %mul3A_650 = arith.mulf %add3A_64, %mul3A_550 : f32
    %sub3A_651 = arith.subf %mul3A_650, %mul3A_542 : f32
    %add3A_652 = arith.addf %sub3A_651, %mul3A_581 : f32
    %mul3A_653 = arith.mulf %add3A_48, %mul3A_589 : f32
    %sub3A_654 = arith.subf %add3A_652, %mul3A_653 : f32
    %mul3A_655 = arith.mulf %sub3A_654, %div3A_641 : f32
    %mul3A_656 = arith.mulf %add3A_64, %mul3A_560 : f32
    %sub3A_657 = arith.subf %mul3A_656, %mul3A_550 : f32
    %add3A_658 = arith.addf %sub3A_657, %mul3A_589 : f32
    %mul3A_659 = arith.mulf %add3A_48, %mul3A_599 : f32
    %sub3A_660 = arith.subf %add3A_658, %mul3A_659 : f32
    %mul3A_661 = arith.mulf %sub3A_660, %div3A_641 : f32
    %mul3A_662 = arith.mulf %add3A_64, %mul3A_570 : f32
    %sub3A_663 = arith.subf %mul3A_662, %mul3A_560 : f32
    %add3A_664 = arith.addf %sub3A_663, %mul3A_599 : f32
    %mul3A_665 = arith.mulf %add3A_48, %mul3A_609 : f32
    %sub3A_666 = arith.subf %add3A_664, %mul3A_665 : f32
    %mul3A_667 = arith.mulf %sub3A_666, %div3A_641 : f32
    %sub3A_668 = arith.subf %add3A_56, %add3A_48 : f32
    %div3A_669 = arith.constant 1.000000e+00 : f32
    %div3A_670 = arith.divf %div3A_669, %sub3A_668 : f32
    %mul3A_671 = arith.mulf %add3A_56, %mul3A_620 : f32
    %sub3A_672 = arith.constant 0.000000e+00 : f32
    %sub3A_673 = arith.subf %mul3A_671, %sub3A_672 : f32
    %add3A_674 = arith.constant 0.000000e+00 : f32
    %add3A_675 = arith.addf %sub3A_673, %add3A_674 : f32
    %mul3A_676 = arith.mulf %add3A_48, %mul3A_649 : f32
    %sub3A_677 = arith.subf %add3A_675, %mul3A_676 : f32
    %mul3A_678 = arith.mulf %sub3A_677, %div3A_670 : f32
    %mul3A_679 = arith.mulf %add3A_56, %mul3A_626 : f32
    %sub3A_680 = arith.subf %mul3A_679, %mul3A_620 : f32
    %add3A_681 = arith.addf %sub3A_680, %mul3A_649 : f32
    %mul3A_682 = arith.mulf %add3A_48, %mul3A_655 : f32
    %sub3A_683 = arith.subf %add3A_681, %mul3A_682 : f32
    %mul3A_684 = arith.mulf %sub3A_683, %div3A_670 : f32
    %mul3A_685 = arith.mulf %add3A_56, %mul3A_632 : f32
    %sub3A_686 = arith.subf %mul3A_685, %mul3A_626 : f32
    %add3A_687 = arith.addf %sub3A_686, %mul3A_655 : f32
    %mul3A_688 = arith.mulf %add3A_48, %mul3A_661 : f32
    %sub3A_689 = arith.subf %add3A_687, %mul3A_688 : f32
    %mul3A_690 = arith.mulf %sub3A_689, %div3A_670 : f32
    %mul3A_691 = arith.mulf %add3A_56, %mul3A_638 : f32
    %sub3A_692 = arith.subf %mul3A_691, %mul3A_632 : f32
    %add3A_693 = arith.addf %sub3A_692, %mul3A_661 : f32
    %mul3A_694 = arith.mulf %add3A_48, %mul3A_667 : f32
    %sub3A_695 = arith.subf %add3A_693, %mul3A_694 : f32
    %mul3A_696 = arith.mulf %sub3A_695, %div3A_670 : f32
    %sub3A_697 = arith.subf %add3A_48, %add3A_40 : f32
    %div3A_698 = arith.constant 1.000000e+00 : f32
    %div3A_699 = arith.divf %div3A_698, %sub3A_697 : f32
    %mul3A_700 = arith.mulf %add3A_48, %get3A_4 : f32
    %sub3A_701 = arith.constant 0.000000e+00 : f32
    %sub3A_702 = arith.subf %mul3A_700, %sub3A_701 : f32
    %add3A_703 = arith.constant 0.000000e+00 : f32
    %add3A_704 = arith.addf %sub3A_702, %add3A_703 : f32
    %mul3A_705 = arith.mulf %add3A_40, %get3A_10 : f32
    %sub3A_706 = arith.subf %add3A_704, %mul3A_705 : f32
    %mul3A_707 = arith.mulf %sub3A_706, %div3A_699 : f32
    %mul3A_708 = arith.constant 0.000000e+00 : f32
    %mul3A_709 = arith.mulf %add3A_48, %mul3A_708 : f32
    %sub3A_710 = arith.subf %mul3A_709, %get3A_4 : f32
    %add3A_711 = arith.addf %sub3A_710, %get3A_10 : f32
    %mul3A_712 = arith.constant 0.000000e+00 : f32
    %mul3A_713 = arith.mulf %add3A_40, %mul3A_712 : f32
    %sub3A_714 = arith.subf %add3A_711, %mul3A_713 : f32
    %mul3A_715 = arith.mulf %sub3A_714, %div3A_699 : f32
    %mul3A_716 = arith.constant 0.000000e+00 : f32
    %mul3A_717 = arith.mulf %add3A_48, %mul3A_716 : f32
    %sub3A_718 = arith.constant 0.000000e+00 : f32
    %sub3A_719 = arith.subf %mul3A_717, %sub3A_718 : f32
    %add3A_720 = arith.constant 0.000000e+00 : f32
    %add3A_721 = arith.addf %sub3A_719, %add3A_720 : f32
    %mul3A_722 = arith.constant 0.000000e+00 : f32
    %mul3A_723 = arith.mulf %add3A_40, %mul3A_722 : f32
    %sub3A_724 = arith.subf %add3A_721, %mul3A_723 : f32
    %mul3A_725 = arith.mulf %sub3A_724, %div3A_699 : f32
    %mul3A_726 = arith.constant 0.000000e+00 : f32
    %mul3A_727 = arith.mulf %add3A_48, %mul3A_726 : f32
    %sub3A_728 = arith.constant 0.000000e+00 : f32
    %sub3A_729 = arith.subf %mul3A_727, %sub3A_728 : f32
    %add3A_730 = arith.constant 0.000000e+00 : f32
    %add3A_731 = arith.addf %sub3A_729, %add3A_730 : f32
    %mul3A_732 = arith.constant 0.000000e+00 : f32
    %mul3A_733 = arith.mulf %add3A_40, %mul3A_732 : f32
    %sub3A_734 = arith.subf %add3A_731, %mul3A_733 : f32
    %mul3A_735 = arith.mulf %sub3A_734, %div3A_699 : f32
    %sub3A_736 = arith.subf %add3A_56, %add3A_48 : f32
    %div3A_737 = arith.constant 1.000000e+00 : f32
    %div3A_738 = arith.divf %div3A_737, %sub3A_736 : f32
    %mul3A_739 = arith.mulf %add3A_56, %get3A_10 : f32
    %sub3A_740 = arith.constant 0.000000e+00 : f32
    %sub3A_741 = arith.subf %mul3A_739, %sub3A_740 : f32
    %add3A_742 = arith.constant 0.000000e+00 : f32
    %add3A_743 = arith.addf %sub3A_741, %add3A_742 : f32
    %mul3A_744 = arith.mulf %add3A_48, %get3A_4 : f32
    %sub3A_745 = arith.subf %add3A_743, %mul3A_744 : f32
    %mul3A_746 = arith.mulf %sub3A_745, %div3A_738 : f32
    %mul3A_747 = arith.constant 0.000000e+00 : f32
    %mul3A_748 = arith.mulf %add3A_56, %mul3A_747 : f32
    %sub3A_749 = arith.subf %mul3A_748, %get3A_10 : f32
    %add3A_750 = arith.addf %sub3A_749, %get3A_4 : f32
    %mul3A_751 = arith.constant 0.000000e+00 : f32
    %mul3A_752 = arith.mulf %add3A_48, %mul3A_751 : f32
    %sub3A_753 = arith.subf %add3A_750, %mul3A_752 : f32
    %mul3A_754 = arith.mulf %sub3A_753, %div3A_738 : f32
    %mul3A_755 = arith.constant 0.000000e+00 : f32
    %mul3A_756 = arith.mulf %add3A_56, %mul3A_755 : f32
    %sub3A_757 = arith.constant 0.000000e+00 : f32
    %sub3A_758 = arith.subf %mul3A_756, %sub3A_757 : f32
    %add3A_759 = arith.constant 0.000000e+00 : f32
    %add3A_760 = arith.addf %sub3A_758, %add3A_759 : f32
    %mul3A_761 = arith.constant 0.000000e+00 : f32
    %mul3A_762 = arith.mulf %add3A_48, %mul3A_761 : f32
    %sub3A_763 = arith.subf %add3A_760, %mul3A_762 : f32
    %mul3A_764 = arith.mulf %sub3A_763, %div3A_738 : f32
    %mul3A_765 = arith.constant 0.000000e+00 : f32
    %mul3A_766 = arith.mulf %add3A_56, %mul3A_765 : f32
    %sub3A_767 = arith.constant 0.000000e+00 : f32
    %sub3A_768 = arith.subf %mul3A_766, %sub3A_767 : f32
    %add3A_769 = arith.constant 0.000000e+00 : f32
    %add3A_770 = arith.addf %sub3A_768, %add3A_769 : f32
    %mul3A_771 = arith.constant 0.000000e+00 : f32
    %mul3A_772 = arith.mulf %add3A_48, %mul3A_771 : f32
    %sub3A_773 = arith.subf %add3A_770, %mul3A_772 : f32
    %mul3A_774 = arith.mulf %sub3A_773, %div3A_738 : f32
    %sub3A_775 = arith.subf %add3A_64, %add3A_56 : f32
    %div3A_776 = arith.constant 1.000000e+00 : f32
    %div3A_777 = arith.divf %div3A_776, %sub3A_775 : f32
    %mul3A_778 = arith.mulf %add3A_64, %get3A_4 : f32
    %sub3A_779 = arith.constant 0.000000e+00 : f32
    %sub3A_780 = arith.subf %mul3A_778, %sub3A_779 : f32
    %add3A_781 = arith.constant 0.000000e+00 : f32
    %add3A_782 = arith.addf %sub3A_780, %add3A_781 : f32
    %mul3A_783 = arith.mulf %add3A_56, %add3A_31 : f32
    %sub3A_784 = arith.subf %add3A_782, %mul3A_783 : f32
    %mul3A_785 = arith.mulf %sub3A_784, %div3A_777 : f32
    %mul3A_786 = arith.constant 0.000000e+00 : f32
    %mul3A_787 = arith.mulf %add3A_64, %mul3A_786 : f32
    %sub3A_788 = arith.subf %mul3A_787, %get3A_4 : f32
    %add3A_789 = arith.addf %sub3A_788, %add3A_31 : f32
    %mul3A_790 = arith.constant 0.000000e+00 : f32
    %mul3A_791 = arith.mulf %add3A_56, %mul3A_790 : f32
    %sub3A_792 = arith.subf %add3A_789, %mul3A_791 : f32
    %mul3A_793 = arith.mulf %sub3A_792, %div3A_777 : f32
    %mul3A_794 = arith.constant 0.000000e+00 : f32
    %mul3A_795 = arith.mulf %add3A_64, %mul3A_794 : f32
    %sub3A_796 = arith.constant 0.000000e+00 : f32
    %sub3A_797 = arith.subf %mul3A_795, %sub3A_796 : f32
    %add3A_798 = arith.constant 0.000000e+00 : f32
    %add3A_799 = arith.addf %sub3A_797, %add3A_798 : f32
    %mul3A_800 = arith.constant 0.000000e+00 : f32
    %mul3A_801 = arith.mulf %add3A_56, %mul3A_800 : f32
    %sub3A_802 = arith.subf %add3A_799, %mul3A_801 : f32
    %mul3A_803 = arith.mulf %sub3A_802, %div3A_777 : f32
    %mul3A_804 = arith.constant 0.000000e+00 : f32
    %mul3A_805 = arith.mulf %add3A_64, %mul3A_804 : f32
    %sub3A_806 = arith.constant 0.000000e+00 : f32
    %sub3A_807 = arith.subf %mul3A_805, %sub3A_806 : f32
    %add3A_808 = arith.constant 0.000000e+00 : f32
    %add3A_809 = arith.addf %sub3A_807, %add3A_808 : f32
    %mul3A_810 = arith.constant 0.000000e+00 : f32
    %mul3A_811 = arith.mulf %add3A_56, %mul3A_810 : f32
    %sub3A_812 = arith.subf %add3A_809, %mul3A_811 : f32
    %mul3A_813 = arith.mulf %sub3A_812, %div3A_777 : f32
    %sub3A_814 = arith.subf %add3A_56, %add3A_40 : f32
    %div3A_815 = arith.constant 1.000000e+00 : f32
    %div3A_816 = arith.divf %div3A_815, %sub3A_814 : f32
    %mul3A_817 = arith.mulf %add3A_56, %mul3A_707 : f32
    %sub3A_818 = arith.constant 0.000000e+00 : f32
    %sub3A_819 = arith.subf %mul3A_817, %sub3A_818 : f32
    %add3A_820 = arith.constant 0.000000e+00 : f32
    %add3A_821 = arith.addf %sub3A_819, %add3A_820 : f32
    %mul3A_822 = arith.mulf %add3A_40, %mul3A_746 : f32
    %sub3A_823 = arith.subf %add3A_821, %mul3A_822 : f32
    %mul3A_824 = arith.mulf %sub3A_823, %div3A_816 : f32
    %mul3A_825 = arith.mulf %add3A_56, %mul3A_715 : f32
    %sub3A_826 = arith.subf %mul3A_825, %mul3A_707 : f32
    %add3A_827 = arith.addf %sub3A_826, %mul3A_746 : f32
    %mul3A_828 = arith.mulf %add3A_40, %mul3A_754 : f32
    %sub3A_829 = arith.subf %add3A_827, %mul3A_828 : f32
    %mul3A_830 = arith.mulf %sub3A_829, %div3A_816 : f32
    %mul3A_831 = arith.mulf %add3A_56, %mul3A_725 : f32
    %sub3A_832 = arith.subf %mul3A_831, %mul3A_715 : f32
    %add3A_833 = arith.addf %sub3A_832, %mul3A_754 : f32
    %mul3A_834 = arith.mulf %add3A_40, %mul3A_764 : f32
    %sub3A_835 = arith.subf %add3A_833, %mul3A_834 : f32
    %mul3A_836 = arith.mulf %sub3A_835, %div3A_816 : f32
    %mul3A_837 = arith.mulf %add3A_56, %mul3A_735 : f32
    %sub3A_838 = arith.subf %mul3A_837, %mul3A_725 : f32
    %add3A_839 = arith.addf %sub3A_838, %mul3A_764 : f32
    %mul3A_840 = arith.mulf %add3A_40, %mul3A_774 : f32
    %sub3A_841 = arith.subf %add3A_839, %mul3A_840 : f32
    %mul3A_842 = arith.mulf %sub3A_841, %div3A_816 : f32
    %sub3A_843 = arith.subf %add3A_64, %add3A_48 : f32
    %div3A_844 = arith.constant 1.000000e+00 : f32
    %div3A_845 = arith.divf %div3A_844, %sub3A_843 : f32
    %mul3A_846 = arith.mulf %add3A_64, %mul3A_746 : f32
    %sub3A_847 = arith.constant 0.000000e+00 : f32
    %sub3A_848 = arith.subf %mul3A_846, %sub3A_847 : f32
    %add3A_849 = arith.constant 0.000000e+00 : f32
    %add3A_850 = arith.addf %sub3A_848, %add3A_849 : f32
    %mul3A_851 = arith.mulf %add3A_48, %mul3A_785 : f32
    %sub3A_852 = arith.subf %add3A_850, %mul3A_851 : f32
    %mul3A_853 = arith.mulf %sub3A_852, %div3A_845 : f32
    %mul3A_854 = arith.mulf %add3A_64, %mul3A_754 : f32
    %sub3A_855 = arith.subf %mul3A_854, %mul3A_746 : f32
    %add3A_856 = arith.addf %sub3A_855, %mul3A_785 : f32
    %mul3A_857 = arith.mulf %add3A_48, %mul3A_793 : f32
    %sub3A_858 = arith.subf %add3A_856, %mul3A_857 : f32
    %mul3A_859 = arith.mulf %sub3A_858, %div3A_845 : f32
    %mul3A_860 = arith.mulf %add3A_64, %mul3A_764 : f32
    %sub3A_861 = arith.subf %mul3A_860, %mul3A_754 : f32
    %add3A_862 = arith.addf %sub3A_861, %mul3A_793 : f32
    %mul3A_863 = arith.mulf %add3A_48, %mul3A_803 : f32
    %sub3A_864 = arith.subf %add3A_862, %mul3A_863 : f32
    %mul3A_865 = arith.mulf %sub3A_864, %div3A_845 : f32
    %mul3A_866 = arith.mulf %add3A_64, %mul3A_774 : f32
    %sub3A_867 = arith.subf %mul3A_866, %mul3A_764 : f32
    %add3A_868 = arith.addf %sub3A_867, %mul3A_803 : f32
    %mul3A_869 = arith.mulf %add3A_48, %mul3A_813 : f32
    %sub3A_870 = arith.subf %add3A_868, %mul3A_869 : f32
    %mul3A_871 = arith.mulf %sub3A_870, %div3A_845 : f32
    %sub3A_872 = arith.subf %add3A_56, %add3A_48 : f32
    %div3A_873 = arith.constant 1.000000e+00 : f32
    %div3A_874 = arith.divf %div3A_873, %sub3A_872 : f32
    %mul3A_875 = arith.mulf %add3A_56, %mul3A_824 : f32
    %sub3A_876 = arith.constant 0.000000e+00 : f32
    %sub3A_877 = arith.subf %mul3A_875, %sub3A_876 : f32
    %add3A_878 = arith.constant 0.000000e+00 : f32
    %add3A_879 = arith.addf %sub3A_877, %add3A_878 : f32
    %mul3A_880 = arith.mulf %add3A_48, %mul3A_853 : f32
    %sub3A_881 = arith.subf %add3A_879, %mul3A_880 : f32
    %mul3A_882 = arith.mulf %sub3A_881, %div3A_874 : f32
    %mul3A_883 = arith.mulf %add3A_56, %mul3A_830 : f32
    %sub3A_884 = arith.subf %mul3A_883, %mul3A_824 : f32
    %add3A_885 = arith.addf %sub3A_884, %mul3A_853 : f32
    %mul3A_886 = arith.mulf %add3A_48, %mul3A_859 : f32
    %sub3A_887 = arith.subf %add3A_885, %mul3A_886 : f32
    %mul3A_888 = arith.mulf %sub3A_887, %div3A_874 : f32
    %mul3A_889 = arith.mulf %add3A_56, %mul3A_836 : f32
    %sub3A_890 = arith.subf %mul3A_889, %mul3A_830 : f32
    %add3A_891 = arith.addf %sub3A_890, %mul3A_859 : f32
    %mul3A_892 = arith.mulf %add3A_48, %mul3A_865 : f32
    %sub3A_893 = arith.subf %add3A_891, %mul3A_892 : f32
    %mul3A_894 = arith.mulf %sub3A_893, %div3A_874 : f32
    %mul3A_895 = arith.mulf %add3A_56, %mul3A_842 : f32
    %sub3A_896 = arith.subf %mul3A_895, %mul3A_836 : f32
    %add3A_897 = arith.addf %sub3A_896, %mul3A_865 : f32
    %mul3A_898 = arith.mulf %add3A_48, %mul3A_871 : f32
    %sub3A_899 = arith.subf %add3A_897, %mul3A_898 : f32
    %mul3A_900 = arith.mulf %sub3A_899, %div3A_874 : f32
    %swap3A = arith.constant 0 : index
    %swap3A_901 = arith.constant 0 : index
    %swap3A_902 = memref.load %arg1[%swap3A, %swap3A_901] : memref<17x16xf32, #tpu.memory_space<smem>>
    memref.store %add3A_48, %arg1[%swap3A, %swap3A_901] : memref<17x16xf32, #tpu.memory_space<smem>>
    %swap3A_903 = arith.constant 0 : index
    %swap3A_904 = arith.constant 1 : index
    %swap3A_905 = memref.load %arg1[%swap3A_903, %swap3A_904] : memref<17x16xf32, #tpu.memory_space<smem>>
    memref.store %add3A_48, %arg1[%swap3A_903, %swap3A_904] : memref<17x16xf32, #tpu.memory_space<smem>>
    %swap3A_906 = arith.constant 0 : index
    %swap3A_907 = arith.constant 2 : index
    %swap3A_908 = memref.load %arg1[%swap3A_906, %swap3A_907] : memref<17x16xf32, #tpu.memory_space<smem>>
    memref.store %add3A_48, %arg1[%swap3A_906, %swap3A_907] : memref<17x16xf32, #tpu.memory_space<smem>>
    %swap3A_909 = arith.constant 0 : index
    %swap3A_910 = arith.constant 3 : index
    %swap3A_911 = memref.load %arg1[%swap3A_909, %swap3A_910] : memref<17x16xf32, #tpu.memory_space<smem>>
    memref.store %add3A_48, %arg1[%swap3A_909, %swap3A_910] : memref<17x16xf32, #tpu.memory_space<smem>>
    %swap3A_912 = arith.constant 0 : index
    %swap3A_913 = arith.constant 4 : index
    %swap3A_914 = memref.load %arg1[%swap3A_912, %swap3A_913] : memref<17x16xf32, #tpu.memory_space<smem>>
    memref.store %add3A_48, %arg1[%swap3A_912, %swap3A_913] : memref<17x16xf32, #tpu.memory_space<smem>>
    %swap3A_915 = arith.constant 0 : index
    %swap3A_916 = arith.constant 5 : index
    %swap3A_917 = memref.load %arg1[%swap3A_915, %swap3A_916] : memref<17x16xf32, #tpu.memory_space<smem>>
    memref.store %add3A_48, %arg1[%swap3A_915, %swap3A_916] : memref<17x16xf32, #tpu.memory_space<smem>>
    %swap3A_918 = arith.constant 0 : index
    %swap3A_919 = arith.constant 6 : index
    %swap3A_920 = memref.load %arg1[%swap3A_918, %swap3A_919] : memref<17x16xf32, #tpu.memory_space<smem>>
    memref.store %add3A_48, %arg1[%swap3A_918, %swap3A_919] : memref<17x16xf32, #tpu.memory_space<smem>>
    %swap3A_921 = arith.constant 0 : index
    %swap3A_922 = arith.constant 7 : index
    %swap3A_923 = memref.load %arg1[%swap3A_921, %swap3A_922] : memref<17x16xf32, #tpu.memory_space<smem>>
    memref.store %add3A_48, %arg1[%swap3A_921, %swap3A_922] : memref<17x16xf32, #tpu.memory_space<smem>>
    %swap3A_924 = arith.constant 0 : index
    %swap3A_925 = arith.constant 8 : index
    %swap3A_926 = memref.load %arg1[%swap3A_924, %swap3A_925] : memref<17x16xf32, #tpu.memory_space<smem>>
    memref.store %add3A_48, %arg1[%swap3A_924, %swap3A_925] : memref<17x16xf32, #tpu.memory_space<smem>>
    %swap3A_927 = arith.constant 0 : index
    %swap3A_928 = arith.constant 9 : index
    %swap3A_929 = memref.load %arg1[%swap3A_927, %swap3A_928] : memref<17x16xf32, #tpu.memory_space<smem>>
    memref.store %add3A_48, %arg1[%swap3A_927, %swap3A_928] : memref<17x16xf32, #tpu.memory_space<smem>>
    %swap3A_930 = arith.constant 0 : index
    %swap3A_931 = arith.constant 10 : index
    %swap3A_932 = memref.load %arg1[%swap3A_930, %swap3A_931] : memref<17x16xf32, #tpu.memory_space<smem>>
    memref.store %add3A_48, %arg1[%swap3A_930, %swap3A_931] : memref<17x16xf32, #tpu.memory_space<smem>>
    %swap3A_933 = arith.constant 0 : index
    %swap3A_934 = arith.constant 11 : index
    %swap3A_935 = memref.load %arg1[%swap3A_933, %swap3A_934] : memref<17x16xf32, #tpu.memory_space<smem>>
    memref.store %add3A_48, %arg1[%swap3A_933, %swap3A_934] : memref<17x16xf32, #tpu.memory_space<smem>>
    %swap3A_936 = arith.constant 0 : index
    %swap3A_937 = arith.constant 12 : index
    %swap3A_938 = memref.load %arg1[%swap3A_936, %swap3A_937] : memref<17x16xf32, #tpu.memory_space<smem>>
    memref.store %add3A_48, %arg1[%swap3A_936, %swap3A_937] : memref<17x16xf32, #tpu.memory_space<smem>>
    %swap3A_939 = arith.constant 0 : index
    %swap3A_940 = arith.constant 13 : index
    %swap3A_941 = memref.load %arg1[%swap3A_939, %swap3A_940] : memref<17x16xf32, #tpu.memory_space<smem>>
    memref.store %add3A_48, %arg1[%swap3A_939, %swap3A_940] : memref<17x16xf32, #tpu.memory_space<smem>>
    %swap3A_942 = arith.constant 0 : index
    %swap3A_943 = arith.constant 14 : index
    %swap3A_944 = memref.load %arg1[%swap3A_942, %swap3A_943] : memref<17x16xf32, #tpu.memory_space<smem>>
    memref.store %add3A_48, %arg1[%swap3A_942, %swap3A_943] : memref<17x16xf32, #tpu.memory_space<smem>>
    %swap3A_945 = arith.constant 0 : index
    %swap3A_946 = arith.constant 15 : index
    %swap3A_947 = memref.load %arg1[%swap3A_945, %swap3A_946] : memref<17x16xf32, #tpu.memory_space<smem>>
    memref.store %add3A_48, %arg1[%swap3A_945, %swap3A_946] : memref<17x16xf32, #tpu.memory_space<smem>>
    %swap3A_948 = arith.constant 1 : index
    %swap3A_949 = arith.constant 0 : index
    %swap3A_950 = memref.load %arg1[%swap3A_948, %swap3A_949] : memref<17x16xf32, #tpu.memory_space<smem>>
    memref.store %mul3A_260, %arg1[%swap3A_948, %swap3A_949] : memref<17x16xf32, #tpu.memory_space<smem>>
    %swap3A_951 = arith.constant 1 : index
    %swap3A_952 = arith.constant 1 : index
    %swap3A_953 = memref.load %arg1[%swap3A_951, %swap3A_952] : memref<17x16xf32, #tpu.memory_space<smem>>
    memref.store %mul3A_260, %arg1[%swap3A_951, %swap3A_952] : memref<17x16xf32, #tpu.memory_space<smem>>
    %swap3A_954 = arith.constant 1 : index
    %swap3A_955 = arith.constant 2 : index
    %swap3A_956 = memref.load %arg1[%swap3A_954, %swap3A_955] : memref<17x16xf32, #tpu.memory_space<smem>>
    memref.store %mul3A_260, %arg1[%swap3A_954, %swap3A_955] : memref<17x16xf32, #tpu.memory_space<smem>>
    %swap3A_957 = arith.constant 1 : index
    %swap3A_958 = arith.constant 3 : index
    %swap3A_959 = memref.load %arg1[%swap3A_957, %swap3A_958] : memref<17x16xf32, #tpu.memory_space<smem>>
    memref.store %mul3A_260, %arg1[%swap3A_957, %swap3A_958] : memref<17x16xf32, #tpu.memory_space<smem>>
    %swap3A_960 = arith.constant 1 : index
    %swap3A_961 = arith.constant 4 : index
    %swap3A_962 = memref.load %arg1[%swap3A_960, %swap3A_961] : memref<17x16xf32, #tpu.memory_space<smem>>
    memref.store %mul3A_260, %arg1[%swap3A_960, %swap3A_961] : memref<17x16xf32, #tpu.memory_space<smem>>
    %swap3A_963 = arith.constant 1 : index
    %swap3A_964 = arith.constant 5 : index
    %swap3A_965 = memref.load %arg1[%swap3A_963, %swap3A_964] : memref<17x16xf32, #tpu.memory_space<smem>>
    memref.store %mul3A_260, %arg1[%swap3A_963, %swap3A_964] : memref<17x16xf32, #tpu.memory_space<smem>>
    %swap3A_966 = arith.constant 1 : index
    %swap3A_967 = arith.constant 6 : index
    %swap3A_968 = memref.load %arg1[%swap3A_966, %swap3A_967] : memref<17x16xf32, #tpu.memory_space<smem>>
    memref.store %mul3A_260, %arg1[%swap3A_966, %swap3A_967] : memref<17x16xf32, #tpu.memory_space<smem>>
    %swap3A_969 = arith.constant 1 : index
    %swap3A_970 = arith.constant 7 : index
    %swap3A_971 = memref.load %arg1[%swap3A_969, %swap3A_970] : memref<17x16xf32, #tpu.memory_space<smem>>
    memref.store %mul3A_260, %arg1[%swap3A_969, %swap3A_970] : memref<17x16xf32, #tpu.memory_space<smem>>
    %swap3A_972 = arith.constant 1 : index
    %swap3A_973 = arith.constant 8 : index
    %swap3A_974 = memref.load %arg1[%swap3A_972, %swap3A_973] : memref<17x16xf32, #tpu.memory_space<smem>>
    memref.store %mul3A_260, %arg1[%swap3A_972, %swap3A_973] : memref<17x16xf32, #tpu.memory_space<smem>>
    %swap3A_975 = arith.constant 1 : index
    %swap3A_976 = arith.constant 9 : index
    %swap3A_977 = memref.load %arg1[%swap3A_975, %swap3A_976] : memref<17x16xf32, #tpu.memory_space<smem>>
    memref.store %mul3A_260, %arg1[%swap3A_975, %swap3A_976] : memref<17x16xf32, #tpu.memory_space<smem>>
    %swap3A_978 = arith.constant 1 : index
    %swap3A_979 = arith.constant 10 : index
    %swap3A_980 = memref.load %arg1[%swap3A_978, %swap3A_979] : memref<17x16xf32, #tpu.memory_space<smem>>
    memref.store %mul3A_260, %arg1[%swap3A_978, %swap3A_979] : memref<17x16xf32, #tpu.memory_space<smem>>
    %swap3A_981 = arith.constant 1 : index
    %swap3A_982 = arith.constant 11 : index
    %swap3A_983 = memref.load %arg1[%swap3A_981, %swap3A_982] : memref<17x16xf32, #tpu.memory_space<smem>>
    memref.store %mul3A_260, %arg1[%swap3A_981, %swap3A_982] : memref<17x16xf32, #tpu.memory_space<smem>>
    %swap3A_984 = arith.constant 1 : index
    %swap3A_985 = arith.constant 12 : index
    %swap3A_986 = memref.load %arg1[%swap3A_984, %swap3A_985] : memref<17x16xf32, #tpu.memory_space<smem>>
    memref.store %mul3A_260, %arg1[%swap3A_984, %swap3A_985] : memref<17x16xf32, #tpu.memory_space<smem>>
    %swap3A_987 = arith.constant 1 : index
    %swap3A_988 = arith.constant 13 : index
    %swap3A_989 = memref.load %arg1[%swap3A_987, %swap3A_988] : memref<17x16xf32, #tpu.memory_space<smem>>
    memref.store %mul3A_260, %arg1[%swap3A_987, %swap3A_988] : memref<17x16xf32, #tpu.memory_space<smem>>
    %swap3A_990 = arith.constant 1 : index
    %swap3A_991 = arith.constant 14 : index
    %swap3A_992 = memref.load %arg1[%swap3A_990, %swap3A_991] : memref<17x16xf32, #tpu.memory_space<smem>>
    memref.store %mul3A_260, %arg1[%swap3A_990, %swap3A_991] : memref<17x16xf32, #tpu.memory_space<smem>>
    %swap3A_993 = arith.constant 1 : index
    %swap3A_994 = arith.constant 15 : index
    %swap3A_995 = memref.load %arg1[%swap3A_993, %swap3A_994] : memref<17x16xf32, #tpu.memory_space<smem>>
    memref.store %mul3A_260, %arg1[%swap3A_993, %swap3A_994] : memref<17x16xf32, #tpu.memory_space<smem>>
    %swap3A_996 = arith.constant 2 : index
    %swap3A_997 = arith.constant 0 : index
    %swap3A_998 = memref.load %arg1[%swap3A_996, %swap3A_997] : memref<17x16xf32, #tpu.memory_space<smem>>
    memref.store %mul3A_266, %arg1[%swap3A_996, %swap3A_997] : memref<17x16xf32, #tpu.memory_space<smem>>
    %swap3A_999 = arith.constant 2 : index
    %swap3A_1000 = arith.constant 1 : index
    %swap3A_1001 = memref.load %arg1[%swap3A_999, %swap3A_1000] : memref<17x16xf32, #tpu.memory_space<smem>>
    memref.store %mul3A_266, %arg1[%swap3A_999, %swap3A_1000] : memref<17x16xf32, #tpu.memory_space<smem>>
    %swap3A_1002 = arith.constant 2 : index
    %swap3A_1003 = arith.constant 2 : index
    %swap3A_1004 = memref.load %arg1[%swap3A_1002, %swap3A_1003] : memref<17x16xf32, #tpu.memory_space<smem>>
    memref.store %mul3A_266, %arg1[%swap3A_1002, %swap3A_1003] : memref<17x16xf32, #tpu.memory_space<smem>>
    %swap3A_1005 = arith.constant 2 : index
    %swap3A_1006 = arith.constant 3 : index
    %swap3A_1007 = memref.load %arg1[%swap3A_1005, %swap3A_1006] : memref<17x16xf32, #tpu.memory_space<smem>>
    memref.store %mul3A_266, %arg1[%swap3A_1005, %swap3A_1006] : memref<17x16xf32, #tpu.memory_space<smem>>
    %swap3A_1008 = arith.constant 2 : index
    %swap3A_1009 = arith.constant 4 : index
    %swap3A_1010 = memref.load %arg1[%swap3A_1008, %swap3A_1009] : memref<17x16xf32, #tpu.memory_space<smem>>
    memref.store %mul3A_266, %arg1[%swap3A_1008, %swap3A_1009] : memref<17x16xf32, #tpu.memory_space<smem>>
    %swap3A_1011 = arith.constant 2 : index
    %swap3A_1012 = arith.constant 5 : index
    %swap3A_1013 = memref.load %arg1[%swap3A_1011, %swap3A_1012] : memref<17x16xf32, #tpu.memory_space<smem>>
    memref.store %mul3A_266, %arg1[%swap3A_1011, %swap3A_1012] : memref<17x16xf32, #tpu.memory_space<smem>>
    %swap3A_1014 = arith.constant 2 : index
    %swap3A_1015 = arith.constant 6 : index
    %swap3A_1016 = memref.load %arg1[%swap3A_1014, %swap3A_1015] : memref<17x16xf32, #tpu.memory_space<smem>>
    memref.store %mul3A_266, %arg1[%swap3A_1014, %swap3A_1015] : memref<17x16xf32, #tpu.memory_space<smem>>
    %swap3A_1017 = arith.constant 2 : index
    %swap3A_1018 = arith.constant 7 : index
    %swap3A_1019 = memref.load %arg1[%swap3A_1017, %swap3A_1018] : memref<17x16xf32, #tpu.memory_space<smem>>
    memref.store %mul3A_266, %arg1[%swap3A_1017, %swap3A_1018] : memref<17x16xf32, #tpu.memory_space<smem>>
    %swap3A_1020 = arith.constant 2 : index
    %swap3A_1021 = arith.constant 8 : index
    %swap3A_1022 = memref.load %arg1[%swap3A_1020, %swap3A_1021] : memref<17x16xf32, #tpu.memory_space<smem>>
    memref.store %mul3A_266, %arg1[%swap3A_1020, %swap3A_1021] : memref<17x16xf32, #tpu.memory_space<smem>>
    %swap3A_1023 = arith.constant 2 : index
    %swap3A_1024 = arith.constant 9 : index
    %swap3A_1025 = memref.load %arg1[%swap3A_1023, %swap3A_1024] : memref<17x16xf32, #tpu.memory_space<smem>>
    memref.store %mul3A_266, %arg1[%swap3A_1023, %swap3A_1024] : memref<17x16xf32, #tpu.memory_space<smem>>
    %swap3A_1026 = arith.constant 2 : index
    %swap3A_1027 = arith.constant 10 : index
    %swap3A_1028 = memref.load %arg1[%swap3A_1026, %swap3A_1027] : memref<17x16xf32, #tpu.memory_space<smem>>
    memref.store %mul3A_266, %arg1[%swap3A_1026, %swap3A_1027] : memref<17x16xf32, #tpu.memory_space<smem>>
    %swap3A_1029 = arith.constant 2 : index
    %swap3A_1030 = arith.constant 11 : index
    %swap3A_1031 = memref.load %arg1[%swap3A_1029, %swap3A_1030] : memref<17x16xf32, #tpu.memory_space<smem>>
    memref.store %mul3A_266, %arg1[%swap3A_1029, %swap3A_1030] : memref<17x16xf32, #tpu.memory_space<smem>>
    %swap3A_1032 = arith.constant 2 : index
    %swap3A_1033 = arith.constant 12 : index
    %swap3A_1034 = memref.load %arg1[%swap3A_1032, %swap3A_1033] : memref<17x16xf32, #tpu.memory_space<smem>>
    memref.store %mul3A_266, %arg1[%swap3A_1032, %swap3A_1033] : memref<17x16xf32, #tpu.memory_space<smem>>
    %swap3A_1035 = arith.constant 2 : index
    %swap3A_1036 = arith.constant 13 : index
    %swap3A_1037 = memref.load %arg1[%swap3A_1035, %swap3A_1036] : memref<17x16xf32, #tpu.memory_space<smem>>
    memref.store %mul3A_266, %arg1[%swap3A_1035, %swap3A_1036] : memref<17x16xf32, #tpu.memory_space<smem>>
    %swap3A_1038 = arith.constant 2 : index
    %swap3A_1039 = arith.constant 14 : index
    %swap3A_1040 = memref.load %arg1[%swap3A_1038, %swap3A_1039] : memref<17x16xf32, #tpu.memory_space<smem>>
    memref.store %mul3A_266, %arg1[%swap3A_1038, %swap3A_1039] : memref<17x16xf32, #tpu.memory_space<smem>>
    %swap3A_1041 = arith.constant 2 : index
    %swap3A_1042 = arith.constant 15 : index
    %swap3A_1043 = memref.load %arg1[%swap3A_1041, %swap3A_1042] : memref<17x16xf32, #tpu.memory_space<smem>>
    memref.store %mul3A_266, %arg1[%swap3A_1041, %swap3A_1042] : memref<17x16xf32, #tpu.memory_space<smem>>
    %swap3A_1044 = arith.constant 3 : index
    %swap3A_1045 = arith.constant 0 : index
    %swap3A_1046 = memref.load %arg1[%swap3A_1044, %swap3A_1045] : memref<17x16xf32, #tpu.memory_space<smem>>
    memref.store %mul3A_272, %arg1[%swap3A_1044, %swap3A_1045] : memref<17x16xf32, #tpu.memory_space<smem>>
    %swap3A_1047 = arith.constant 3 : index
    %swap3A_1048 = arith.constant 1 : index
    %swap3A_1049 = memref.load %arg1[%swap3A_1047, %swap3A_1048] : memref<17x16xf32, #tpu.memory_space<smem>>
    memref.store %mul3A_272, %arg1[%swap3A_1047, %swap3A_1048] : memref<17x16xf32, #tpu.memory_space<smem>>
    %swap3A_1050 = arith.constant 3 : index
    %swap3A_1051 = arith.constant 2 : index
    %swap3A_1052 = memref.load %arg1[%swap3A_1050, %swap3A_1051] : memref<17x16xf32, #tpu.memory_space<smem>>
    memref.store %mul3A_272, %arg1[%swap3A_1050, %swap3A_1051] : memref<17x16xf32, #tpu.memory_space<smem>>
    %swap3A_1053 = arith.constant 3 : index
    %swap3A_1054 = arith.constant 3 : index
    %swap3A_1055 = memref.load %arg1[%swap3A_1053, %swap3A_1054] : memref<17x16xf32, #tpu.memory_space<smem>>
    memref.store %mul3A_272, %arg1[%swap3A_1053, %swap3A_1054] : memref<17x16xf32, #tpu.memory_space<smem>>
    %swap3A_1056 = arith.constant 3 : index
    %swap3A_1057 = arith.constant 4 : index
    %swap3A_1058 = memref.load %arg1[%swap3A_1056, %swap3A_1057] : memref<17x16xf32, #tpu.memory_space<smem>>
    memref.store %mul3A_272, %arg1[%swap3A_1056, %swap3A_1057] : memref<17x16xf32, #tpu.memory_space<smem>>
    %swap3A_1059 = arith.constant 3 : index
    %swap3A_1060 = arith.constant 5 : index
    %swap3A_1061 = memref.load %arg1[%swap3A_1059, %swap3A_1060] : memref<17x16xf32, #tpu.memory_space<smem>>
    memref.store %mul3A_272, %arg1[%swap3A_1059, %swap3A_1060] : memref<17x16xf32, #tpu.memory_space<smem>>
    %swap3A_1062 = arith.constant 3 : index
    %swap3A_1063 = arith.constant 6 : index
    %swap3A_1064 = memref.load %arg1[%swap3A_1062, %swap3A_1063] : memref<17x16xf32, #tpu.memory_space<smem>>
    memref.store %mul3A_272, %arg1[%swap3A_1062, %swap3A_1063] : memref<17x16xf32, #tpu.memory_space<smem>>
    %swap3A_1065 = arith.constant 3 : index
    %swap3A_1066 = arith.constant 7 : index
    %swap3A_1067 = memref.load %arg1[%swap3A_1065, %swap3A_1066] : memref<17x16xf32, #tpu.memory_space<smem>>
    memref.store %mul3A_272, %arg1[%swap3A_1065, %swap3A_1066] : memref<17x16xf32, #tpu.memory_space<smem>>
    %swap3A_1068 = arith.constant 3 : index
    %swap3A_1069 = arith.constant 8 : index
    %swap3A_1070 = memref.load %arg1[%swap3A_1068, %swap3A_1069] : memref<17x16xf32, #tpu.memory_space<smem>>
    memref.store %mul3A_272, %arg1[%swap3A_1068, %swap3A_1069] : memref<17x16xf32, #tpu.memory_space<smem>>
    %swap3A_1071 = arith.constant 3 : index
    %swap3A_1072 = arith.constant 9 : index
    %swap3A_1073 = memref.load %arg1[%swap3A_1071, %swap3A_1072] : memref<17x16xf32, #tpu.memory_space<smem>>
    memref.store %mul3A_272, %arg1[%swap3A_1071, %swap3A_1072] : memref<17x16xf32, #tpu.memory_space<smem>>
    %swap3A_1074 = arith.constant 3 : index
    %swap3A_1075 = arith.constant 10 : index
    %swap3A_1076 = memref.load %arg1[%swap3A_1074, %swap3A_1075] : memref<17x16xf32, #tpu.memory_space<smem>>
    memref.store %mul3A_272, %arg1[%swap3A_1074, %swap3A_1075] : memref<17x16xf32, #tpu.memory_space<smem>>
    %swap3A_1077 = arith.constant 3 : index
    %swap3A_1078 = arith.constant 11 : index
    %swap3A_1079 = memref.load %arg1[%swap3A_1077, %swap3A_1078] : memref<17x16xf32, #tpu.memory_space<smem>>
    memref.store %mul3A_272, %arg1[%swap3A_1077, %swap3A_1078] : memref<17x16xf32, #tpu.memory_space<smem>>
    %swap3A_1080 = arith.constant 3 : index
    %swap3A_1081 = arith.constant 12 : index
    %swap3A_1082 = memref.load %arg1[%swap3A_1080, %swap3A_1081] : memref<17x16xf32, #tpu.memory_space<smem>>
    memref.store %mul3A_272, %arg1[%swap3A_1080, %swap3A_1081] : memref<17x16xf32, #tpu.memory_space<smem>>
    %swap3A_1083 = arith.constant 3 : index
    %swap3A_1084 = arith.constant 13 : index
    %swap3A_1085 = memref.load %arg1[%swap3A_1083, %swap3A_1084] : memref<17x16xf32, #tpu.memory_space<smem>>
    memref.store %mul3A_272, %arg1[%swap3A_1083, %swap3A_1084] : memref<17x16xf32, #tpu.memory_space<smem>>
    %swap3A_1086 = arith.constant 3 : index
    %swap3A_1087 = arith.constant 14 : index
    %swap3A_1088 = memref.load %arg1[%swap3A_1086, %swap3A_1087] : memref<17x16xf32, #tpu.memory_space<smem>>
    memref.store %mul3A_272, %arg1[%swap3A_1086, %swap3A_1087] : memref<17x16xf32, #tpu.memory_space<smem>>
    %swap3A_1089 = arith.constant 3 : index
    %swap3A_1090 = arith.constant 15 : index
    %swap3A_1091 = memref.load %arg1[%swap3A_1089, %swap3A_1090] : memref<17x16xf32, #tpu.memory_space<smem>>
    memref.store %mul3A_272, %arg1[%swap3A_1089, %swap3A_1090] : memref<17x16xf32, #tpu.memory_space<smem>>
    %swap3A_1092 = arith.constant 4 : index
    %swap3A_1093 = arith.constant 0 : index
    %swap3A_1094 = memref.load %arg1[%swap3A_1092, %swap3A_1093] : memref<17x16xf32, #tpu.memory_space<smem>>
    memref.store %mul3A_278, %arg1[%swap3A_1092, %swap3A_1093] : memref<17x16xf32, #tpu.memory_space<smem>>
    %swap3A_1095 = arith.constant 4 : index
    %swap3A_1096 = arith.constant 1 : index
    %swap3A_1097 = memref.load %arg1[%swap3A_1095, %swap3A_1096] : memref<17x16xf32, #tpu.memory_space<smem>>
    memref.store %mul3A_278, %arg1[%swap3A_1095, %swap3A_1096] : memref<17x16xf32, #tpu.memory_space<smem>>
    %swap3A_1098 = arith.constant 4 : index
    %swap3A_1099 = arith.constant 2 : index
    %swap3A_1100 = memref.load %arg1[%swap3A_1098, %swap3A_1099] : memref<17x16xf32, #tpu.memory_space<smem>>
    memref.store %mul3A_278, %arg1[%swap3A_1098, %swap3A_1099] : memref<17x16xf32, #tpu.memory_space<smem>>
    %swap3A_1101 = arith.constant 4 : index
    %swap3A_1102 = arith.constant 3 : index
    %swap3A_1103 = memref.load %arg1[%swap3A_1101, %swap3A_1102] : memref<17x16xf32, #tpu.memory_space<smem>>
    memref.store %mul3A_278, %arg1[%swap3A_1101, %swap3A_1102] : memref<17x16xf32, #tpu.memory_space<smem>>
    %swap3A_1104 = arith.constant 4 : index
    %swap3A_1105 = arith.constant 4 : index
    %swap3A_1106 = memref.load %arg1[%swap3A_1104, %swap3A_1105] : memref<17x16xf32, #tpu.memory_space<smem>>
    memref.store %mul3A_278, %arg1[%swap3A_1104, %swap3A_1105] : memref<17x16xf32, #tpu.memory_space<smem>>
    %swap3A_1107 = arith.constant 4 : index
    %swap3A_1108 = arith.constant 5 : index
    %swap3A_1109 = memref.load %arg1[%swap3A_1107, %swap3A_1108] : memref<17x16xf32, #tpu.memory_space<smem>>
    memref.store %mul3A_278, %arg1[%swap3A_1107, %swap3A_1108] : memref<17x16xf32, #tpu.memory_space<smem>>
    %swap3A_1110 = arith.constant 4 : index
    %swap3A_1111 = arith.constant 6 : index
    %swap3A_1112 = memref.load %arg1[%swap3A_1110, %swap3A_1111] : memref<17x16xf32, #tpu.memory_space<smem>>
    memref.store %mul3A_278, %arg1[%swap3A_1110, %swap3A_1111] : memref<17x16xf32, #tpu.memory_space<smem>>
    %swap3A_1113 = arith.constant 4 : index
    %swap3A_1114 = arith.constant 7 : index
    %swap3A_1115 = memref.load %arg1[%swap3A_1113, %swap3A_1114] : memref<17x16xf32, #tpu.memory_space<smem>>
    memref.store %mul3A_278, %arg1[%swap3A_1113, %swap3A_1114] : memref<17x16xf32, #tpu.memory_space<smem>>
    %swap3A_1116 = arith.constant 4 : index
    %swap3A_1117 = arith.constant 8 : index
    %swap3A_1118 = memref.load %arg1[%swap3A_1116, %swap3A_1117] : memref<17x16xf32, #tpu.memory_space<smem>>
    memref.store %mul3A_278, %arg1[%swap3A_1116, %swap3A_1117] : memref<17x16xf32, #tpu.memory_space<smem>>
    %swap3A_1119 = arith.constant 4 : index
    %swap3A_1120 = arith.constant 9 : index
    %swap3A_1121 = memref.load %arg1[%swap3A_1119, %swap3A_1120] : memref<17x16xf32, #tpu.memory_space<smem>>
    memref.store %mul3A_278, %arg1[%swap3A_1119, %swap3A_1120] : memref<17x16xf32, #tpu.memory_space<smem>>
    %swap3A_1122 = arith.constant 4 : index
    %swap3A_1123 = arith.constant 10 : index
    %swap3A_1124 = memref.load %arg1[%swap3A_1122, %swap3A_1123] : memref<17x16xf32, #tpu.memory_space<smem>>
    memref.store %mul3A_278, %arg1[%swap3A_1122, %swap3A_1123] : memref<17x16xf32, #tpu.memory_space<smem>>
    %swap3A_1125 = arith.constant 4 : index
    %swap3A_1126 = arith.constant 11 : index
    %swap3A_1127 = memref.load %arg1[%swap3A_1125, %swap3A_1126] : memref<17x16xf32, #tpu.memory_space<smem>>
    memref.store %mul3A_278, %arg1[%swap3A_1125, %swap3A_1126] : memref<17x16xf32, #tpu.memory_space<smem>>
    %swap3A_1128 = arith.constant 4 : index
    %swap3A_1129 = arith.constant 12 : index
    %swap3A_1130 = memref.load %arg1[%swap3A_1128, %swap3A_1129] : memref<17x16xf32, #tpu.memory_space<smem>>
    memref.store %mul3A_278, %arg1[%swap3A_1128, %swap3A_1129] : memref<17x16xf32, #tpu.memory_space<smem>>
    %swap3A_1131 = arith.constant 4 : index
    %swap3A_1132 = arith.constant 13 : index
    %swap3A_1133 = memref.load %arg1[%swap3A_1131, %swap3A_1132] : memref<17x16xf32, #tpu.memory_space<smem>>
    memref.store %mul3A_278, %arg1[%swap3A_1131, %swap3A_1132] : memref<17x16xf32, #tpu.memory_space<smem>>
    %swap3A_1134 = arith.constant 4 : index
    %swap3A_1135 = arith.constant 14 : index
    %swap3A_1136 = memref.load %arg1[%swap3A_1134, %swap3A_1135] : memref<17x16xf32, #tpu.memory_space<smem>>
    memref.store %mul3A_278, %arg1[%swap3A_1134, %swap3A_1135] : memref<17x16xf32, #tpu.memory_space<smem>>
    %swap3A_1137 = arith.constant 4 : index
    %swap3A_1138 = arith.constant 15 : index
    %swap3A_1139 = memref.load %arg1[%swap3A_1137, %swap3A_1138] : memref<17x16xf32, #tpu.memory_space<smem>>
    memref.store %mul3A_278, %arg1[%swap3A_1137, %swap3A_1138] : memref<17x16xf32, #tpu.memory_space<smem>>
    %swap3A_1140 = arith.constant 5 : index
    %swap3A_1141 = arith.constant 0 : index
    %swap3A_1142 = memref.load %arg1[%swap3A_1140, %swap3A_1141] : memref<17x16xf32, #tpu.memory_space<smem>>
    memref.store %mul3A_474, %arg1[%swap3A_1140, %swap3A_1141] : memref<17x16xf32, #tpu.memory_space<smem>>
    %swap3A_1143 = arith.constant 5 : index
    %swap3A_1144 = arith.constant 1 : index
    %swap3A_1145 = memref.load %arg1[%swap3A_1143, %swap3A_1144] : memref<17x16xf32, #tpu.memory_space<smem>>
    memref.store %mul3A_474, %arg1[%swap3A_1143, %swap3A_1144] : memref<17x16xf32, #tpu.memory_space<smem>>
    %swap3A_1146 = arith.constant 5 : index
    %swap3A_1147 = arith.constant 2 : index
    %swap3A_1148 = memref.load %arg1[%swap3A_1146, %swap3A_1147] : memref<17x16xf32, #tpu.memory_space<smem>>
    memref.store %mul3A_474, %arg1[%swap3A_1146, %swap3A_1147] : memref<17x16xf32, #tpu.memory_space<smem>>
    %swap3A_1149 = arith.constant 5 : index
    %swap3A_1150 = arith.constant 3 : index
    %swap3A_1151 = memref.load %arg1[%swap3A_1149, %swap3A_1150] : memref<17x16xf32, #tpu.memory_space<smem>>
    memref.store %mul3A_474, %arg1[%swap3A_1149, %swap3A_1150] : memref<17x16xf32, #tpu.memory_space<smem>>
    %swap3A_1152 = arith.constant 5 : index
    %swap3A_1153 = arith.constant 4 : index
    %swap3A_1154 = memref.load %arg1[%swap3A_1152, %swap3A_1153] : memref<17x16xf32, #tpu.memory_space<smem>>
    memref.store %mul3A_474, %arg1[%swap3A_1152, %swap3A_1153] : memref<17x16xf32, #tpu.memory_space<smem>>
    %swap3A_1155 = arith.constant 5 : index
    %swap3A_1156 = arith.constant 5 : index
    %swap3A_1157 = memref.load %arg1[%swap3A_1155, %swap3A_1156] : memref<17x16xf32, #tpu.memory_space<smem>>
    memref.store %mul3A_474, %arg1[%swap3A_1155, %swap3A_1156] : memref<17x16xf32, #tpu.memory_space<smem>>
    %swap3A_1158 = arith.constant 5 : index
    %swap3A_1159 = arith.constant 6 : index
    %swap3A_1160 = memref.load %arg1[%swap3A_1158, %swap3A_1159] : memref<17x16xf32, #tpu.memory_space<smem>>
    memref.store %mul3A_474, %arg1[%swap3A_1158, %swap3A_1159] : memref<17x16xf32, #tpu.memory_space<smem>>
    %swap3A_1161 = arith.constant 5 : index
    %swap3A_1162 = arith.constant 7 : index
    %swap3A_1163 = memref.load %arg1[%swap3A_1161, %swap3A_1162] : memref<17x16xf32, #tpu.memory_space<smem>>
    memref.store %mul3A_474, %arg1[%swap3A_1161, %swap3A_1162] : memref<17x16xf32, #tpu.memory_space<smem>>
    %swap3A_1164 = arith.constant 5 : index
    %swap3A_1165 = arith.constant 8 : index
    %swap3A_1166 = memref.load %arg1[%swap3A_1164, %swap3A_1165] : memref<17x16xf32, #tpu.memory_space<smem>>
    memref.store %mul3A_474, %arg1[%swap3A_1164, %swap3A_1165] : memref<17x16xf32, #tpu.memory_space<smem>>
    %swap3A_1167 = arith.constant 5 : index
    %swap3A_1168 = arith.constant 9 : index
    %swap3A_1169 = memref.load %arg1[%swap3A_1167, %swap3A_1168] : memref<17x16xf32, #tpu.memory_space<smem>>
    memref.store %mul3A_474, %arg1[%swap3A_1167, %swap3A_1168] : memref<17x16xf32, #tpu.memory_space<smem>>
    %swap3A_1170 = arith.constant 5 : index
    %swap3A_1171 = arith.constant 10 : index
    %swap3A_1172 = memref.load %arg1[%swap3A_1170, %swap3A_1171] : memref<17x16xf32, #tpu.memory_space<smem>>
    memref.store %mul3A_474, %arg1[%swap3A_1170, %swap3A_1171] : memref<17x16xf32, #tpu.memory_space<smem>>
    %swap3A_1173 = arith.constant 5 : index
    %swap3A_1174 = arith.constant 11 : index
    %swap3A_1175 = memref.load %arg1[%swap3A_1173, %swap3A_1174] : memref<17x16xf32, #tpu.memory_space<smem>>
    memref.store %mul3A_474, %arg1[%swap3A_1173, %swap3A_1174] : memref<17x16xf32, #tpu.memory_space<smem>>
    %swap3A_1176 = arith.constant 5 : index
    %swap3A_1177 = arith.constant 12 : index
    %swap3A_1178 = memref.load %arg1[%swap3A_1176, %swap3A_1177] : memref<17x16xf32, #tpu.memory_space<smem>>
    memref.store %mul3A_474, %arg1[%swap3A_1176, %swap3A_1177] : memref<17x16xf32, #tpu.memory_space<smem>>
    %swap3A_1179 = arith.constant 5 : index
    %swap3A_1180 = arith.constant 13 : index
    %swap3A_1181 = memref.load %arg1[%swap3A_1179, %swap3A_1180] : memref<17x16xf32, #tpu.memory_space<smem>>
    memref.store %mul3A_474, %arg1[%swap3A_1179, %swap3A_1180] : memref<17x16xf32, #tpu.memory_space<smem>>
    %swap3A_1182 = arith.constant 5 : index
    %swap3A_1183 = arith.constant 14 : index
    %swap3A_1184 = memref.load %arg1[%swap3A_1182, %swap3A_1183] : memref<17x16xf32, #tpu.memory_space<smem>>
    memref.store %mul3A_474, %arg1[%swap3A_1182, %swap3A_1183] : memref<17x16xf32, #tpu.memory_space<smem>>
    %swap3A_1185 = arith.constant 5 : index
    %swap3A_1186 = arith.constant 15 : index
    %swap3A_1187 = memref.load %arg1[%swap3A_1185, %swap3A_1186] : memref<17x16xf32, #tpu.memory_space<smem>>
    memref.store %mul3A_474, %arg1[%swap3A_1185, %swap3A_1186] : memref<17x16xf32, #tpu.memory_space<smem>>
    %swap3A_1188 = arith.constant 6 : index
    %swap3A_1189 = arith.constant 0 : index
    %swap3A_1190 = memref.load %arg1[%swap3A_1188, %swap3A_1189] : memref<17x16xf32, #tpu.memory_space<smem>>
    memref.store %mul3A_480, %arg1[%swap3A_1188, %swap3A_1189] : memref<17x16xf32, #tpu.memory_space<smem>>
    %swap3A_1191 = arith.constant 6 : index
    %swap3A_1192 = arith.constant 1 : index
    %swap3A_1193 = memref.load %arg1[%swap3A_1191, %swap3A_1192] : memref<17x16xf32, #tpu.memory_space<smem>>
    memref.store %mul3A_480, %arg1[%swap3A_1191, %swap3A_1192] : memref<17x16xf32, #tpu.memory_space<smem>>
    %swap3A_1194 = arith.constant 6 : index
    %swap3A_1195 = arith.constant 2 : index
    %swap3A_1196 = memref.load %arg1[%swap3A_1194, %swap3A_1195] : memref<17x16xf32, #tpu.memory_space<smem>>
    memref.store %mul3A_480, %arg1[%swap3A_1194, %swap3A_1195] : memref<17x16xf32, #tpu.memory_space<smem>>
    %swap3A_1197 = arith.constant 6 : index
    %swap3A_1198 = arith.constant 3 : index
    %swap3A_1199 = memref.load %arg1[%swap3A_1197, %swap3A_1198] : memref<17x16xf32, #tpu.memory_space<smem>>
    memref.store %mul3A_480, %arg1[%swap3A_1197, %swap3A_1198] : memref<17x16xf32, #tpu.memory_space<smem>>
    %swap3A_1200 = arith.constant 6 : index
    %swap3A_1201 = arith.constant 4 : index
    %swap3A_1202 = memref.load %arg1[%swap3A_1200, %swap3A_1201] : memref<17x16xf32, #tpu.memory_space<smem>>
    memref.store %mul3A_480, %arg1[%swap3A_1200, %swap3A_1201] : memref<17x16xf32, #tpu.memory_space<smem>>
    %swap3A_1203 = arith.constant 6 : index
    %swap3A_1204 = arith.constant 5 : index
    %swap3A_1205 = memref.load %arg1[%swap3A_1203, %swap3A_1204] : memref<17x16xf32, #tpu.memory_space<smem>>
    memref.store %mul3A_480, %arg1[%swap3A_1203, %swap3A_1204] : memref<17x16xf32, #tpu.memory_space<smem>>
    %swap3A_1206 = arith.constant 6 : index
    %swap3A_1207 = arith.constant 6 : index
    %swap3A_1208 = memref.load %arg1[%swap3A_1206, %swap3A_1207] : memref<17x16xf32, #tpu.memory_space<smem>>
    memref.store %mul3A_480, %arg1[%swap3A_1206, %swap3A_1207] : memref<17x16xf32, #tpu.memory_space<smem>>
    %swap3A_1209 = arith.constant 6 : index
    %swap3A_1210 = arith.constant 7 : index
    %swap3A_1211 = memref.load %arg1[%swap3A_1209, %swap3A_1210] : memref<17x16xf32, #tpu.memory_space<smem>>
    memref.store %mul3A_480, %arg1[%swap3A_1209, %swap3A_1210] : memref<17x16xf32, #tpu.memory_space<smem>>
    %swap3A_1212 = arith.constant 6 : index
    %swap3A_1213 = arith.constant 8 : index
    %swap3A_1214 = memref.load %arg1[%swap3A_1212, %swap3A_1213] : memref<17x16xf32, #tpu.memory_space<smem>>
    memref.store %mul3A_480, %arg1[%swap3A_1212, %swap3A_1213] : memref<17x16xf32, #tpu.memory_space<smem>>
    %swap3A_1215 = arith.constant 6 : index
    %swap3A_1216 = arith.constant 9 : index
    %swap3A_1217 = memref.load %arg1[%swap3A_1215, %swap3A_1216] : memref<17x16xf32, #tpu.memory_space<smem>>
    memref.store %mul3A_480, %arg1[%swap3A_1215, %swap3A_1216] : memref<17x16xf32, #tpu.memory_space<smem>>
    %swap3A_1218 = arith.constant 6 : index
    %swap3A_1219 = arith.constant 10 : index
    %swap3A_1220 = memref.load %arg1[%swap3A_1218, %swap3A_1219] : memref<17x16xf32, #tpu.memory_space<smem>>
    memref.store %mul3A_480, %arg1[%swap3A_1218, %swap3A_1219] : memref<17x16xf32, #tpu.memory_space<smem>>
    %swap3A_1221 = arith.constant 6 : index
    %swap3A_1222 = arith.constant 11 : index
    %swap3A_1223 = memref.load %arg1[%swap3A_1221, %swap3A_1222] : memref<17x16xf32, #tpu.memory_space<smem>>
    memref.store %mul3A_480, %arg1[%swap3A_1221, %swap3A_1222] : memref<17x16xf32, #tpu.memory_space<smem>>
    %swap3A_1224 = arith.constant 6 : index
    %swap3A_1225 = arith.constant 12 : index
    %swap3A_1226 = memref.load %arg1[%swap3A_1224, %swap3A_1225] : memref<17x16xf32, #tpu.memory_space<smem>>
    memref.store %mul3A_480, %arg1[%swap3A_1224, %swap3A_1225] : memref<17x16xf32, #tpu.memory_space<smem>>
    %swap3A_1227 = arith.constant 6 : index
    %swap3A_1228 = arith.constant 13 : index
    %swap3A_1229 = memref.load %arg1[%swap3A_1227, %swap3A_1228] : memref<17x16xf32, #tpu.memory_space<smem>>
    memref.store %mul3A_480, %arg1[%swap3A_1227, %swap3A_1228] : memref<17x16xf32, #tpu.memory_space<smem>>
    %swap3A_1230 = arith.constant 6 : index
    %swap3A_1231 = arith.constant 14 : index
    %swap3A_1232 = memref.load %arg1[%swap3A_1230, %swap3A_1231] : memref<17x16xf32, #tpu.memory_space<smem>>
    memref.store %mul3A_480, %arg1[%swap3A_1230, %swap3A_1231] : memref<17x16xf32, #tpu.memory_space<smem>>
    %swap3A_1233 = arith.constant 6 : index
    %swap3A_1234 = arith.constant 15 : index
    %swap3A_1235 = memref.load %arg1[%swap3A_1233, %swap3A_1234] : memref<17x16xf32, #tpu.memory_space<smem>>
    memref.store %mul3A_480, %arg1[%swap3A_1233, %swap3A_1234] : memref<17x16xf32, #tpu.memory_space<smem>>
    %swap3A_1236 = arith.constant 7 : index
    %swap3A_1237 = arith.constant 0 : index
    %swap3A_1238 = memref.load %arg1[%swap3A_1236, %swap3A_1237] : memref<17x16xf32, #tpu.memory_space<smem>>
    memref.store %mul3A_486, %arg1[%swap3A_1236, %swap3A_1237] : memref<17x16xf32, #tpu.memory_space<smem>>
    %swap3A_1239 = arith.constant 7 : index
    %swap3A_1240 = arith.constant 1 : index
    %swap3A_1241 = memref.load %arg1[%swap3A_1239, %swap3A_1240] : memref<17x16xf32, #tpu.memory_space<smem>>
    memref.store %mul3A_486, %arg1[%swap3A_1239, %swap3A_1240] : memref<17x16xf32, #tpu.memory_space<smem>>
    %swap3A_1242 = arith.constant 7 : index
    %swap3A_1243 = arith.constant 2 : index
    %swap3A_1244 = memref.load %arg1[%swap3A_1242, %swap3A_1243] : memref<17x16xf32, #tpu.memory_space<smem>>
    memref.store %mul3A_486, %arg1[%swap3A_1242, %swap3A_1243] : memref<17x16xf32, #tpu.memory_space<smem>>
    %swap3A_1245 = arith.constant 7 : index
    %swap3A_1246 = arith.constant 3 : index
    %swap3A_1247 = memref.load %arg1[%swap3A_1245, %swap3A_1246] : memref<17x16xf32, #tpu.memory_space<smem>>
    memref.store %mul3A_486, %arg1[%swap3A_1245, %swap3A_1246] : memref<17x16xf32, #tpu.memory_space<smem>>
    %swap3A_1248 = arith.constant 7 : index
    %swap3A_1249 = arith.constant 4 : index
    %swap3A_1250 = memref.load %arg1[%swap3A_1248, %swap3A_1249] : memref<17x16xf32, #tpu.memory_space<smem>>
    memref.store %mul3A_486, %arg1[%swap3A_1248, %swap3A_1249] : memref<17x16xf32, #tpu.memory_space<smem>>
    %swap3A_1251 = arith.constant 7 : index
    %swap3A_1252 = arith.constant 5 : index
    %swap3A_1253 = memref.load %arg1[%swap3A_1251, %swap3A_1252] : memref<17x16xf32, #tpu.memory_space<smem>>
    memref.store %mul3A_486, %arg1[%swap3A_1251, %swap3A_1252] : memref<17x16xf32, #tpu.memory_space<smem>>
    %swap3A_1254 = arith.constant 7 : index
    %swap3A_1255 = arith.constant 6 : index
    %swap3A_1256 = memref.load %arg1[%swap3A_1254, %swap3A_1255] : memref<17x16xf32, #tpu.memory_space<smem>>
    memref.store %mul3A_486, %arg1[%swap3A_1254, %swap3A_1255] : memref<17x16xf32, #tpu.memory_space<smem>>
    %swap3A_1257 = arith.constant 7 : index
    %swap3A_1258 = arith.constant 7 : index
    %swap3A_1259 = memref.load %arg1[%swap3A_1257, %swap3A_1258] : memref<17x16xf32, #tpu.memory_space<smem>>
    memref.store %mul3A_486, %arg1[%swap3A_1257, %swap3A_1258] : memref<17x16xf32, #tpu.memory_space<smem>>
    %swap3A_1260 = arith.constant 7 : index
    %swap3A_1261 = arith.constant 8 : index
    %swap3A_1262 = memref.load %arg1[%swap3A_1260, %swap3A_1261] : memref<17x16xf32, #tpu.memory_space<smem>>
    memref.store %mul3A_486, %arg1[%swap3A_1260, %swap3A_1261] : memref<17x16xf32, #tpu.memory_space<smem>>
    %swap3A_1263 = arith.constant 7 : index
    %swap3A_1264 = arith.constant 9 : index
    %swap3A_1265 = memref.load %arg1[%swap3A_1263, %swap3A_1264] : memref<17x16xf32, #tpu.memory_space<smem>>
    memref.store %mul3A_486, %arg1[%swap3A_1263, %swap3A_1264] : memref<17x16xf32, #tpu.memory_space<smem>>
    %swap3A_1266 = arith.constant 7 : index
    %swap3A_1267 = arith.constant 10 : index
    %swap3A_1268 = memref.load %arg1[%swap3A_1266, %swap3A_1267] : memref<17x16xf32, #tpu.memory_space<smem>>
    memref.store %mul3A_486, %arg1[%swap3A_1266, %swap3A_1267] : memref<17x16xf32, #tpu.memory_space<smem>>
    %swap3A_1269 = arith.constant 7 : index
    %swap3A_1270 = arith.constant 11 : index
    %swap3A_1271 = memref.load %arg1[%swap3A_1269, %swap3A_1270] : memref<17x16xf32, #tpu.memory_space<smem>>
    memref.store %mul3A_486, %arg1[%swap3A_1269, %swap3A_1270] : memref<17x16xf32, #tpu.memory_space<smem>>
    %swap3A_1272 = arith.constant 7 : index
    %swap3A_1273 = arith.constant 12 : index
    %swap3A_1274 = memref.load %arg1[%swap3A_1272, %swap3A_1273] : memref<17x16xf32, #tpu.memory_space<smem>>
    memref.store %mul3A_486, %arg1[%swap3A_1272, %swap3A_1273] : memref<17x16xf32, #tpu.memory_space<smem>>
    %swap3A_1275 = arith.constant 7 : index
    %swap3A_1276 = arith.constant 13 : index
    %swap3A_1277 = memref.load %arg1[%swap3A_1275, %swap3A_1276] : memref<17x16xf32, #tpu.memory_space<smem>>
    memref.store %mul3A_486, %arg1[%swap3A_1275, %swap3A_1276] : memref<17x16xf32, #tpu.memory_space<smem>>
    %swap3A_1278 = arith.constant 7 : index
    %swap3A_1279 = arith.constant 14 : index
    %swap3A_1280 = memref.load %arg1[%swap3A_1278, %swap3A_1279] : memref<17x16xf32, #tpu.memory_space<smem>>
    memref.store %mul3A_486, %arg1[%swap3A_1278, %swap3A_1279] : memref<17x16xf32, #tpu.memory_space<smem>>
    %swap3A_1281 = arith.constant 7 : index
    %swap3A_1282 = arith.constant 15 : index
    %swap3A_1283 = memref.load %arg1[%swap3A_1281, %swap3A_1282] : memref<17x16xf32, #tpu.memory_space<smem>>
    memref.store %mul3A_486, %arg1[%swap3A_1281, %swap3A_1282] : memref<17x16xf32, #tpu.memory_space<smem>>
    %swap3A_1284 = arith.constant 8 : index
    %swap3A_1285 = arith.constant 0 : index
    %swap3A_1286 = memref.load %arg1[%swap3A_1284, %swap3A_1285] : memref<17x16xf32, #tpu.memory_space<smem>>
    memref.store %mul3A_492, %arg1[%swap3A_1284, %swap3A_1285] : memref<17x16xf32, #tpu.memory_space<smem>>
    %swap3A_1287 = arith.constant 8 : index
    %swap3A_1288 = arith.constant 1 : index
    %swap3A_1289 = memref.load %arg1[%swap3A_1287, %swap3A_1288] : memref<17x16xf32, #tpu.memory_space<smem>>
    memref.store %mul3A_492, %arg1[%swap3A_1287, %swap3A_1288] : memref<17x16xf32, #tpu.memory_space<smem>>
    %swap3A_1290 = arith.constant 8 : index
    %swap3A_1291 = arith.constant 2 : index
    %swap3A_1292 = memref.load %arg1[%swap3A_1290, %swap3A_1291] : memref<17x16xf32, #tpu.memory_space<smem>>
    memref.store %mul3A_492, %arg1[%swap3A_1290, %swap3A_1291] : memref<17x16xf32, #tpu.memory_space<smem>>
    %swap3A_1293 = arith.constant 8 : index
    %swap3A_1294 = arith.constant 3 : index
    %swap3A_1295 = memref.load %arg1[%swap3A_1293, %swap3A_1294] : memref<17x16xf32, #tpu.memory_space<smem>>
    memref.store %mul3A_492, %arg1[%swap3A_1293, %swap3A_1294] : memref<17x16xf32, #tpu.memory_space<smem>>
    %swap3A_1296 = arith.constant 8 : index
    %swap3A_1297 = arith.constant 4 : index
    %swap3A_1298 = memref.load %arg1[%swap3A_1296, %swap3A_1297] : memref<17x16xf32, #tpu.memory_space<smem>>
    memref.store %mul3A_492, %arg1[%swap3A_1296, %swap3A_1297] : memref<17x16xf32, #tpu.memory_space<smem>>
    %swap3A_1299 = arith.constant 8 : index
    %swap3A_1300 = arith.constant 5 : index
    %swap3A_1301 = memref.load %arg1[%swap3A_1299, %swap3A_1300] : memref<17x16xf32, #tpu.memory_space<smem>>
    memref.store %mul3A_492, %arg1[%swap3A_1299, %swap3A_1300] : memref<17x16xf32, #tpu.memory_space<smem>>
    %swap3A_1302 = arith.constant 8 : index
    %swap3A_1303 = arith.constant 6 : index
    %swap3A_1304 = memref.load %arg1[%swap3A_1302, %swap3A_1303] : memref<17x16xf32, #tpu.memory_space<smem>>
    memref.store %mul3A_492, %arg1[%swap3A_1302, %swap3A_1303] : memref<17x16xf32, #tpu.memory_space<smem>>
    %swap3A_1305 = arith.constant 8 : index
    %swap3A_1306 = arith.constant 7 : index
    %swap3A_1307 = memref.load %arg1[%swap3A_1305, %swap3A_1306] : memref<17x16xf32, #tpu.memory_space<smem>>
    memref.store %mul3A_492, %arg1[%swap3A_1305, %swap3A_1306] : memref<17x16xf32, #tpu.memory_space<smem>>
    %swap3A_1308 = arith.constant 8 : index
    %swap3A_1309 = arith.constant 8 : index
    %swap3A_1310 = memref.load %arg1[%swap3A_1308, %swap3A_1309] : memref<17x16xf32, #tpu.memory_space<smem>>
    memref.store %mul3A_492, %arg1[%swap3A_1308, %swap3A_1309] : memref<17x16xf32, #tpu.memory_space<smem>>
    %swap3A_1311 = arith.constant 8 : index
    %swap3A_1312 = arith.constant 9 : index
    %swap3A_1313 = memref.load %arg1[%swap3A_1311, %swap3A_1312] : memref<17x16xf32, #tpu.memory_space<smem>>
    memref.store %mul3A_492, %arg1[%swap3A_1311, %swap3A_1312] : memref<17x16xf32, #tpu.memory_space<smem>>
    %swap3A_1314 = arith.constant 8 : index
    %swap3A_1315 = arith.constant 10 : index
    %swap3A_1316 = memref.load %arg1[%swap3A_1314, %swap3A_1315] : memref<17x16xf32, #tpu.memory_space<smem>>
    memref.store %mul3A_492, %arg1[%swap3A_1314, %swap3A_1315] : memref<17x16xf32, #tpu.memory_space<smem>>
    %swap3A_1317 = arith.constant 8 : index
    %swap3A_1318 = arith.constant 11 : index
    %swap3A_1319 = memref.load %arg1[%swap3A_1317, %swap3A_1318] : memref<17x16xf32, #tpu.memory_space<smem>>
    memref.store %mul3A_492, %arg1[%swap3A_1317, %swap3A_1318] : memref<17x16xf32, #tpu.memory_space<smem>>
    %swap3A_1320 = arith.constant 8 : index
    %swap3A_1321 = arith.constant 12 : index
    %swap3A_1322 = memref.load %arg1[%swap3A_1320, %swap3A_1321] : memref<17x16xf32, #tpu.memory_space<smem>>
    memref.store %mul3A_492, %arg1[%swap3A_1320, %swap3A_1321] : memref<17x16xf32, #tpu.memory_space<smem>>
    %swap3A_1323 = arith.constant 8 : index
    %swap3A_1324 = arith.constant 13 : index
    %swap3A_1325 = memref.load %arg1[%swap3A_1323, %swap3A_1324] : memref<17x16xf32, #tpu.memory_space<smem>>
    memref.store %mul3A_492, %arg1[%swap3A_1323, %swap3A_1324] : memref<17x16xf32, #tpu.memory_space<smem>>
    %swap3A_1326 = arith.constant 8 : index
    %swap3A_1327 = arith.constant 14 : index
    %swap3A_1328 = memref.load %arg1[%swap3A_1326, %swap3A_1327] : memref<17x16xf32, #tpu.memory_space<smem>>
    memref.store %mul3A_492, %arg1[%swap3A_1326, %swap3A_1327] : memref<17x16xf32, #tpu.memory_space<smem>>
    %swap3A_1329 = arith.constant 8 : index
    %swap3A_1330 = arith.constant 15 : index
    %swap3A_1331 = memref.load %arg1[%swap3A_1329, %swap3A_1330] : memref<17x16xf32, #tpu.memory_space<smem>>
    memref.store %mul3A_492, %arg1[%swap3A_1329, %swap3A_1330] : memref<17x16xf32, #tpu.memory_space<smem>>
    %swap3A_1332 = arith.constant 9 : index
    %swap3A_1333 = arith.constant 0 : index
    %swap3A_1334 = memref.load %arg1[%swap3A_1332, %swap3A_1333] : memref<17x16xf32, #tpu.memory_space<smem>>
    memref.store %mul3A_678, %arg1[%swap3A_1332, %swap3A_1333] : memref<17x16xf32, #tpu.memory_space<smem>>
    %swap3A_1335 = arith.constant 9 : index
    %swap3A_1336 = arith.constant 1 : index
    %swap3A_1337 = memref.load %arg1[%swap3A_1335, %swap3A_1336] : memref<17x16xf32, #tpu.memory_space<smem>>
    memref.store %mul3A_678, %arg1[%swap3A_1335, %swap3A_1336] : memref<17x16xf32, #tpu.memory_space<smem>>
    %swap3A_1338 = arith.constant 9 : index
    %swap3A_1339 = arith.constant 2 : index
    %swap3A_1340 = memref.load %arg1[%swap3A_1338, %swap3A_1339] : memref<17x16xf32, #tpu.memory_space<smem>>
    memref.store %mul3A_678, %arg1[%swap3A_1338, %swap3A_1339] : memref<17x16xf32, #tpu.memory_space<smem>>
    %swap3A_1341 = arith.constant 9 : index
    %swap3A_1342 = arith.constant 3 : index
    %swap3A_1343 = memref.load %arg1[%swap3A_1341, %swap3A_1342] : memref<17x16xf32, #tpu.memory_space<smem>>
    memref.store %mul3A_678, %arg1[%swap3A_1341, %swap3A_1342] : memref<17x16xf32, #tpu.memory_space<smem>>
    %swap3A_1344 = arith.constant 9 : index
    %swap3A_1345 = arith.constant 4 : index
    %swap3A_1346 = memref.load %arg1[%swap3A_1344, %swap3A_1345] : memref<17x16xf32, #tpu.memory_space<smem>>
    memref.store %mul3A_678, %arg1[%swap3A_1344, %swap3A_1345] : memref<17x16xf32, #tpu.memory_space<smem>>
    %swap3A_1347 = arith.constant 9 : index
    %swap3A_1348 = arith.constant 5 : index
    %swap3A_1349 = memref.load %arg1[%swap3A_1347, %swap3A_1348] : memref<17x16xf32, #tpu.memory_space<smem>>
    memref.store %mul3A_678, %arg1[%swap3A_1347, %swap3A_1348] : memref<17x16xf32, #tpu.memory_space<smem>>
    %swap3A_1350 = arith.constant 9 : index
    %swap3A_1351 = arith.constant 6 : index
    %swap3A_1352 = memref.load %arg1[%swap3A_1350, %swap3A_1351] : memref<17x16xf32, #tpu.memory_space<smem>>
    memref.store %mul3A_678, %arg1[%swap3A_1350, %swap3A_1351] : memref<17x16xf32, #tpu.memory_space<smem>>
    %swap3A_1353 = arith.constant 9 : index
    %swap3A_1354 = arith.constant 7 : index
    %swap3A_1355 = memref.load %arg1[%swap3A_1353, %swap3A_1354] : memref<17x16xf32, #tpu.memory_space<smem>>
    memref.store %mul3A_678, %arg1[%swap3A_1353, %swap3A_1354] : memref<17x16xf32, #tpu.memory_space<smem>>
    %swap3A_1356 = arith.constant 9 : index
    %swap3A_1357 = arith.constant 8 : index
    %swap3A_1358 = memref.load %arg1[%swap3A_1356, %swap3A_1357] : memref<17x16xf32, #tpu.memory_space<smem>>
    memref.store %mul3A_678, %arg1[%swap3A_1356, %swap3A_1357] : memref<17x16xf32, #tpu.memory_space<smem>>
    %swap3A_1359 = arith.constant 9 : index
    %swap3A_1360 = arith.constant 9 : index
    %swap3A_1361 = memref.load %arg1[%swap3A_1359, %swap3A_1360] : memref<17x16xf32, #tpu.memory_space<smem>>
    memref.store %mul3A_678, %arg1[%swap3A_1359, %swap3A_1360] : memref<17x16xf32, #tpu.memory_space<smem>>
    %swap3A_1362 = arith.constant 9 : index
    %swap3A_1363 = arith.constant 10 : index
    %swap3A_1364 = memref.load %arg1[%swap3A_1362, %swap3A_1363] : memref<17x16xf32, #tpu.memory_space<smem>>
    memref.store %mul3A_678, %arg1[%swap3A_1362, %swap3A_1363] : memref<17x16xf32, #tpu.memory_space<smem>>
    %swap3A_1365 = arith.constant 9 : index
    %swap3A_1366 = arith.constant 11 : index
    %swap3A_1367 = memref.load %arg1[%swap3A_1365, %swap3A_1366] : memref<17x16xf32, #tpu.memory_space<smem>>
    memref.store %mul3A_678, %arg1[%swap3A_1365, %swap3A_1366] : memref<17x16xf32, #tpu.memory_space<smem>>
    %swap3A_1368 = arith.constant 9 : index
    %swap3A_1369 = arith.constant 12 : index
    %swap3A_1370 = memref.load %arg1[%swap3A_1368, %swap3A_1369] : memref<17x16xf32, #tpu.memory_space<smem>>
    memref.store %mul3A_678, %arg1[%swap3A_1368, %swap3A_1369] : memref<17x16xf32, #tpu.memory_space<smem>>
    %swap3A_1371 = arith.constant 9 : index
    %swap3A_1372 = arith.constant 13 : index
    %swap3A_1373 = memref.load %arg1[%swap3A_1371, %swap3A_1372] : memref<17x16xf32, #tpu.memory_space<smem>>
    memref.store %mul3A_678, %arg1[%swap3A_1371, %swap3A_1372] : memref<17x16xf32, #tpu.memory_space<smem>>
    %swap3A_1374 = arith.constant 9 : index
    %swap3A_1375 = arith.constant 14 : index
    %swap3A_1376 = memref.load %arg1[%swap3A_1374, %swap3A_1375] : memref<17x16xf32, #tpu.memory_space<smem>>
    memref.store %mul3A_678, %arg1[%swap3A_1374, %swap3A_1375] : memref<17x16xf32, #tpu.memory_space<smem>>
    %swap3A_1377 = arith.constant 9 : index
    %swap3A_1378 = arith.constant 15 : index
    %swap3A_1379 = memref.load %arg1[%swap3A_1377, %swap3A_1378] : memref<17x16xf32, #tpu.memory_space<smem>>
    memref.store %mul3A_678, %arg1[%swap3A_1377, %swap3A_1378] : memref<17x16xf32, #tpu.memory_space<smem>>
    %swap3A_1380 = arith.constant 10 : index
    %swap3A_1381 = arith.constant 0 : index
    %swap3A_1382 = memref.load %arg1[%swap3A_1380, %swap3A_1381] : memref<17x16xf32, #tpu.memory_space<smem>>
    memref.store %mul3A_684, %arg1[%swap3A_1380, %swap3A_1381] : memref<17x16xf32, #tpu.memory_space<smem>>
    %swap3A_1383 = arith.constant 10 : index
    %swap3A_1384 = arith.constant 1 : index
    %swap3A_1385 = memref.load %arg1[%swap3A_1383, %swap3A_1384] : memref<17x16xf32, #tpu.memory_space<smem>>
    memref.store %mul3A_684, %arg1[%swap3A_1383, %swap3A_1384] : memref<17x16xf32, #tpu.memory_space<smem>>
    %swap3A_1386 = arith.constant 10 : index
    %swap3A_1387 = arith.constant 2 : index
    %swap3A_1388 = memref.load %arg1[%swap3A_1386, %swap3A_1387] : memref<17x16xf32, #tpu.memory_space<smem>>
    memref.store %mul3A_684, %arg1[%swap3A_1386, %swap3A_1387] : memref<17x16xf32, #tpu.memory_space<smem>>
    %swap3A_1389 = arith.constant 10 : index
    %swap3A_1390 = arith.constant 3 : index
    %swap3A_1391 = memref.load %arg1[%swap3A_1389, %swap3A_1390] : memref<17x16xf32, #tpu.memory_space<smem>>
    memref.store %mul3A_684, %arg1[%swap3A_1389, %swap3A_1390] : memref<17x16xf32, #tpu.memory_space<smem>>
    %swap3A_1392 = arith.constant 10 : index
    %swap3A_1393 = arith.constant 4 : index
    %swap3A_1394 = memref.load %arg1[%swap3A_1392, %swap3A_1393] : memref<17x16xf32, #tpu.memory_space<smem>>
    memref.store %mul3A_684, %arg1[%swap3A_1392, %swap3A_1393] : memref<17x16xf32, #tpu.memory_space<smem>>
    %swap3A_1395 = arith.constant 10 : index
    %swap3A_1396 = arith.constant 5 : index
    %swap3A_1397 = memref.load %arg1[%swap3A_1395, %swap3A_1396] : memref<17x16xf32, #tpu.memory_space<smem>>
    memref.store %mul3A_684, %arg1[%swap3A_1395, %swap3A_1396] : memref<17x16xf32, #tpu.memory_space<smem>>
    %swap3A_1398 = arith.constant 10 : index
    %swap3A_1399 = arith.constant 6 : index
    %swap3A_1400 = memref.load %arg1[%swap3A_1398, %swap3A_1399] : memref<17x16xf32, #tpu.memory_space<smem>>
    memref.store %mul3A_684, %arg1[%swap3A_1398, %swap3A_1399] : memref<17x16xf32, #tpu.memory_space<smem>>
    %swap3A_1401 = arith.constant 10 : index
    %swap3A_1402 = arith.constant 7 : index
    %swap3A_1403 = memref.load %arg1[%swap3A_1401, %swap3A_1402] : memref<17x16xf32, #tpu.memory_space<smem>>
    memref.store %mul3A_684, %arg1[%swap3A_1401, %swap3A_1402] : memref<17x16xf32, #tpu.memory_space<smem>>
    %swap3A_1404 = arith.constant 10 : index
    %swap3A_1405 = arith.constant 8 : index
    %swap3A_1406 = memref.load %arg1[%swap3A_1404, %swap3A_1405] : memref<17x16xf32, #tpu.memory_space<smem>>
    memref.store %mul3A_684, %arg1[%swap3A_1404, %swap3A_1405] : memref<17x16xf32, #tpu.memory_space<smem>>
    %swap3A_1407 = arith.constant 10 : index
    %swap3A_1408 = arith.constant 9 : index
    %swap3A_1409 = memref.load %arg1[%swap3A_1407, %swap3A_1408] : memref<17x16xf32, #tpu.memory_space<smem>>
    memref.store %mul3A_684, %arg1[%swap3A_1407, %swap3A_1408] : memref<17x16xf32, #tpu.memory_space<smem>>
    %swap3A_1410 = arith.constant 10 : index
    %swap3A_1411 = arith.constant 10 : index
    %swap3A_1412 = memref.load %arg1[%swap3A_1410, %swap3A_1411] : memref<17x16xf32, #tpu.memory_space<smem>>
    memref.store %mul3A_684, %arg1[%swap3A_1410, %swap3A_1411] : memref<17x16xf32, #tpu.memory_space<smem>>
    %swap3A_1413 = arith.constant 10 : index
    %swap3A_1414 = arith.constant 11 : index
    %swap3A_1415 = memref.load %arg1[%swap3A_1413, %swap3A_1414] : memref<17x16xf32, #tpu.memory_space<smem>>
    memref.store %mul3A_684, %arg1[%swap3A_1413, %swap3A_1414] : memref<17x16xf32, #tpu.memory_space<smem>>
    %swap3A_1416 = arith.constant 10 : index
    %swap3A_1417 = arith.constant 12 : index
    %swap3A_1418 = memref.load %arg1[%swap3A_1416, %swap3A_1417] : memref<17x16xf32, #tpu.memory_space<smem>>
    memref.store %mul3A_684, %arg1[%swap3A_1416, %swap3A_1417] : memref<17x16xf32, #tpu.memory_space<smem>>
    %swap3A_1419 = arith.constant 10 : index
    %swap3A_1420 = arith.constant 13 : index
    %swap3A_1421 = memref.load %arg1[%swap3A_1419, %swap3A_1420] : memref<17x16xf32, #tpu.memory_space<smem>>
    memref.store %mul3A_684, %arg1[%swap3A_1419, %swap3A_1420] : memref<17x16xf32, #tpu.memory_space<smem>>
    %swap3A_1422 = arith.constant 10 : index
    %swap3A_1423 = arith.constant 14 : index
    %swap3A_1424 = memref.load %arg1[%swap3A_1422, %swap3A_1423] : memref<17x16xf32, #tpu.memory_space<smem>>
    memref.store %mul3A_684, %arg1[%swap3A_1422, %swap3A_1423] : memref<17x16xf32, #tpu.memory_space<smem>>
    %swap3A_1425 = arith.constant 10 : index
    %swap3A_1426 = arith.constant 15 : index
    %swap3A_1427 = memref.load %arg1[%swap3A_1425, %swap3A_1426] : memref<17x16xf32, #tpu.memory_space<smem>>
    memref.store %mul3A_684, %arg1[%swap3A_1425, %swap3A_1426] : memref<17x16xf32, #tpu.memory_space<smem>>
    %swap3A_1428 = arith.constant 11 : index
    %swap3A_1429 = arith.constant 0 : index
    %swap3A_1430 = memref.load %arg1[%swap3A_1428, %swap3A_1429] : memref<17x16xf32, #tpu.memory_space<smem>>
    memref.store %mul3A_690, %arg1[%swap3A_1428, %swap3A_1429] : memref<17x16xf32, #tpu.memory_space<smem>>
    %swap3A_1431 = arith.constant 11 : index
    %swap3A_1432 = arith.constant 1 : index
    %swap3A_1433 = memref.load %arg1[%swap3A_1431, %swap3A_1432] : memref<17x16xf32, #tpu.memory_space<smem>>
    memref.store %mul3A_690, %arg1[%swap3A_1431, %swap3A_1432] : memref<17x16xf32, #tpu.memory_space<smem>>
    %swap3A_1434 = arith.constant 11 : index
    %swap3A_1435 = arith.constant 2 : index
    %swap3A_1436 = memref.load %arg1[%swap3A_1434, %swap3A_1435] : memref<17x16xf32, #tpu.memory_space<smem>>
    memref.store %mul3A_690, %arg1[%swap3A_1434, %swap3A_1435] : memref<17x16xf32, #tpu.memory_space<smem>>
    %swap3A_1437 = arith.constant 11 : index
    %swap3A_1438 = arith.constant 3 : index
    %swap3A_1439 = memref.load %arg1[%swap3A_1437, %swap3A_1438] : memref<17x16xf32, #tpu.memory_space<smem>>
    memref.store %mul3A_690, %arg1[%swap3A_1437, %swap3A_1438] : memref<17x16xf32, #tpu.memory_space<smem>>
    %swap3A_1440 = arith.constant 11 : index
    %swap3A_1441 = arith.constant 4 : index
    %swap3A_1442 = memref.load %arg1[%swap3A_1440, %swap3A_1441] : memref<17x16xf32, #tpu.memory_space<smem>>
    memref.store %mul3A_690, %arg1[%swap3A_1440, %swap3A_1441] : memref<17x16xf32, #tpu.memory_space<smem>>
    %swap3A_1443 = arith.constant 11 : index
    %swap3A_1444 = arith.constant 5 : index
    %swap3A_1445 = memref.load %arg1[%swap3A_1443, %swap3A_1444] : memref<17x16xf32, #tpu.memory_space<smem>>
    memref.store %mul3A_690, %arg1[%swap3A_1443, %swap3A_1444] : memref<17x16xf32, #tpu.memory_space<smem>>
    %swap3A_1446 = arith.constant 11 : index
    %swap3A_1447 = arith.constant 6 : index
    %swap3A_1448 = memref.load %arg1[%swap3A_1446, %swap3A_1447] : memref<17x16xf32, #tpu.memory_space<smem>>
    memref.store %mul3A_690, %arg1[%swap3A_1446, %swap3A_1447] : memref<17x16xf32, #tpu.memory_space<smem>>
    %swap3A_1449 = arith.constant 11 : index
    %swap3A_1450 = arith.constant 7 : index
    %swap3A_1451 = memref.load %arg1[%swap3A_1449, %swap3A_1450] : memref<17x16xf32, #tpu.memory_space<smem>>
    memref.store %mul3A_690, %arg1[%swap3A_1449, %swap3A_1450] : memref<17x16xf32, #tpu.memory_space<smem>>
    %swap3A_1452 = arith.constant 11 : index
    %swap3A_1453 = arith.constant 8 : index
    %swap3A_1454 = memref.load %arg1[%swap3A_1452, %swap3A_1453] : memref<17x16xf32, #tpu.memory_space<smem>>
    memref.store %mul3A_690, %arg1[%swap3A_1452, %swap3A_1453] : memref<17x16xf32, #tpu.memory_space<smem>>
    %swap3A_1455 = arith.constant 11 : index
    %swap3A_1456 = arith.constant 9 : index
    %swap3A_1457 = memref.load %arg1[%swap3A_1455, %swap3A_1456] : memref<17x16xf32, #tpu.memory_space<smem>>
    memref.store %mul3A_690, %arg1[%swap3A_1455, %swap3A_1456] : memref<17x16xf32, #tpu.memory_space<smem>>
    %swap3A_1458 = arith.constant 11 : index
    %swap3A_1459 = arith.constant 10 : index
    %swap3A_1460 = memref.load %arg1[%swap3A_1458, %swap3A_1459] : memref<17x16xf32, #tpu.memory_space<smem>>
    memref.store %mul3A_690, %arg1[%swap3A_1458, %swap3A_1459] : memref<17x16xf32, #tpu.memory_space<smem>>
    %swap3A_1461 = arith.constant 11 : index
    %swap3A_1462 = arith.constant 11 : index
    %swap3A_1463 = memref.load %arg1[%swap3A_1461, %swap3A_1462] : memref<17x16xf32, #tpu.memory_space<smem>>
    memref.store %mul3A_690, %arg1[%swap3A_1461, %swap3A_1462] : memref<17x16xf32, #tpu.memory_space<smem>>
    %swap3A_1464 = arith.constant 11 : index
    %swap3A_1465 = arith.constant 12 : index
    %swap3A_1466 = memref.load %arg1[%swap3A_1464, %swap3A_1465] : memref<17x16xf32, #tpu.memory_space<smem>>
    memref.store %mul3A_690, %arg1[%swap3A_1464, %swap3A_1465] : memref<17x16xf32, #tpu.memory_space<smem>>
    %swap3A_1467 = arith.constant 11 : index
    %swap3A_1468 = arith.constant 13 : index
    %swap3A_1469 = memref.load %arg1[%swap3A_1467, %swap3A_1468] : memref<17x16xf32, #tpu.memory_space<smem>>
    memref.store %mul3A_690, %arg1[%swap3A_1467, %swap3A_1468] : memref<17x16xf32, #tpu.memory_space<smem>>
    %swap3A_1470 = arith.constant 11 : index
    %swap3A_1471 = arith.constant 14 : index
    %swap3A_1472 = memref.load %arg1[%swap3A_1470, %swap3A_1471] : memref<17x16xf32, #tpu.memory_space<smem>>
    memref.store %mul3A_690, %arg1[%swap3A_1470, %swap3A_1471] : memref<17x16xf32, #tpu.memory_space<smem>>
    %swap3A_1473 = arith.constant 11 : index
    %swap3A_1474 = arith.constant 15 : index
    %swap3A_1475 = memref.load %arg1[%swap3A_1473, %swap3A_1474] : memref<17x16xf32, #tpu.memory_space<smem>>
    memref.store %mul3A_690, %arg1[%swap3A_1473, %swap3A_1474] : memref<17x16xf32, #tpu.memory_space<smem>>
    %swap3A_1476 = arith.constant 12 : index
    %swap3A_1477 = arith.constant 0 : index
    %swap3A_1478 = memref.load %arg1[%swap3A_1476, %swap3A_1477] : memref<17x16xf32, #tpu.memory_space<smem>>
    memref.store %mul3A_696, %arg1[%swap3A_1476, %swap3A_1477] : memref<17x16xf32, #tpu.memory_space<smem>>
    %swap3A_1479 = arith.constant 12 : index
    %swap3A_1480 = arith.constant 1 : index
    %swap3A_1481 = memref.load %arg1[%swap3A_1479, %swap3A_1480] : memref<17x16xf32, #tpu.memory_space<smem>>
    memref.store %mul3A_696, %arg1[%swap3A_1479, %swap3A_1480] : memref<17x16xf32, #tpu.memory_space<smem>>
    %swap3A_1482 = arith.constant 12 : index
    %swap3A_1483 = arith.constant 2 : index
    %swap3A_1484 = memref.load %arg1[%swap3A_1482, %swap3A_1483] : memref<17x16xf32, #tpu.memory_space<smem>>
    memref.store %mul3A_696, %arg1[%swap3A_1482, %swap3A_1483] : memref<17x16xf32, #tpu.memory_space<smem>>
    %swap3A_1485 = arith.constant 12 : index
    %swap3A_1486 = arith.constant 3 : index
    %swap3A_1487 = memref.load %arg1[%swap3A_1485, %swap3A_1486] : memref<17x16xf32, #tpu.memory_space<smem>>
    memref.store %mul3A_696, %arg1[%swap3A_1485, %swap3A_1486] : memref<17x16xf32, #tpu.memory_space<smem>>
    %swap3A_1488 = arith.constant 12 : index
    %swap3A_1489 = arith.constant 4 : index
    %swap3A_1490 = memref.load %arg1[%swap3A_1488, %swap3A_1489] : memref<17x16xf32, #tpu.memory_space<smem>>
    memref.store %mul3A_696, %arg1[%swap3A_1488, %swap3A_1489] : memref<17x16xf32, #tpu.memory_space<smem>>
    %swap3A_1491 = arith.constant 12 : index
    %swap3A_1492 = arith.constant 5 : index
    %swap3A_1493 = memref.load %arg1[%swap3A_1491, %swap3A_1492] : memref<17x16xf32, #tpu.memory_space<smem>>
    memref.store %mul3A_696, %arg1[%swap3A_1491, %swap3A_1492] : memref<17x16xf32, #tpu.memory_space<smem>>
    %swap3A_1494 = arith.constant 12 : index
    %swap3A_1495 = arith.constant 6 : index
    %swap3A_1496 = memref.load %arg1[%swap3A_1494, %swap3A_1495] : memref<17x16xf32, #tpu.memory_space<smem>>
    memref.store %mul3A_696, %arg1[%swap3A_1494, %swap3A_1495] : memref<17x16xf32, #tpu.memory_space<smem>>
    %swap3A_1497 = arith.constant 12 : index
    %swap3A_1498 = arith.constant 7 : index
    %swap3A_1499 = memref.load %arg1[%swap3A_1497, %swap3A_1498] : memref<17x16xf32, #tpu.memory_space<smem>>
    memref.store %mul3A_696, %arg1[%swap3A_1497, %swap3A_1498] : memref<17x16xf32, #tpu.memory_space<smem>>
    %swap3A_1500 = arith.constant 12 : index
    %swap3A_1501 = arith.constant 8 : index
    %swap3A_1502 = memref.load %arg1[%swap3A_1500, %swap3A_1501] : memref<17x16xf32, #tpu.memory_space<smem>>
    memref.store %mul3A_696, %arg1[%swap3A_1500, %swap3A_1501] : memref<17x16xf32, #tpu.memory_space<smem>>
    %swap3A_1503 = arith.constant 12 : index
    %swap3A_1504 = arith.constant 9 : index
    %swap3A_1505 = memref.load %arg1[%swap3A_1503, %swap3A_1504] : memref<17x16xf32, #tpu.memory_space<smem>>
    memref.store %mul3A_696, %arg1[%swap3A_1503, %swap3A_1504] : memref<17x16xf32, #tpu.memory_space<smem>>
    %swap3A_1506 = arith.constant 12 : index
    %swap3A_1507 = arith.constant 10 : index
    %swap3A_1508 = memref.load %arg1[%swap3A_1506, %swap3A_1507] : memref<17x16xf32, #tpu.memory_space<smem>>
    memref.store %mul3A_696, %arg1[%swap3A_1506, %swap3A_1507] : memref<17x16xf32, #tpu.memory_space<smem>>
    %swap3A_1509 = arith.constant 12 : index
    %swap3A_1510 = arith.constant 11 : index
    %swap3A_1511 = memref.load %arg1[%swap3A_1509, %swap3A_1510] : memref<17x16xf32, #tpu.memory_space<smem>>
    memref.store %mul3A_696, %arg1[%swap3A_1509, %swap3A_1510] : memref<17x16xf32, #tpu.memory_space<smem>>
    %swap3A_1512 = arith.constant 12 : index
    %swap3A_1513 = arith.constant 12 : index
    %swap3A_1514 = memref.load %arg1[%swap3A_1512, %swap3A_1513] : memref<17x16xf32, #tpu.memory_space<smem>>
    memref.store %mul3A_696, %arg1[%swap3A_1512, %swap3A_1513] : memref<17x16xf32, #tpu.memory_space<smem>>
    %swap3A_1515 = arith.constant 12 : index
    %swap3A_1516 = arith.constant 13 : index
    %swap3A_1517 = memref.load %arg1[%swap3A_1515, %swap3A_1516] : memref<17x16xf32, #tpu.memory_space<smem>>
    memref.store %mul3A_696, %arg1[%swap3A_1515, %swap3A_1516] : memref<17x16xf32, #tpu.memory_space<smem>>
    %swap3A_1518 = arith.constant 12 : index
    %swap3A_1519 = arith.constant 14 : index
    %swap3A_1520 = memref.load %arg1[%swap3A_1518, %swap3A_1519] : memref<17x16xf32, #tpu.memory_space<smem>>
    memref.store %mul3A_696, %arg1[%swap3A_1518, %swap3A_1519] : memref<17x16xf32, #tpu.memory_space<smem>>
    %swap3A_1521 = arith.constant 12 : index
    %swap3A_1522 = arith.constant 15 : index
    %swap3A_1523 = memref.load %arg1[%swap3A_1521, %swap3A_1522] : memref<17x16xf32, #tpu.memory_space<smem>>
    memref.store %mul3A_696, %arg1[%swap3A_1521, %swap3A_1522] : memref<17x16xf32, #tpu.memory_space<smem>>
    %swap3A_1524 = arith.constant 13 : index
    %swap3A_1525 = arith.constant 0 : index
    %swap3A_1526 = memref.load %arg1[%swap3A_1524, %swap3A_1525] : memref<17x16xf32, #tpu.memory_space<smem>>
    memref.store %mul3A_882, %arg1[%swap3A_1524, %swap3A_1525] : memref<17x16xf32, #tpu.memory_space<smem>>
    %swap3A_1527 = arith.constant 13 : index
    %swap3A_1528 = arith.constant 1 : index
    %swap3A_1529 = memref.load %arg1[%swap3A_1527, %swap3A_1528] : memref<17x16xf32, #tpu.memory_space<smem>>
    memref.store %mul3A_882, %arg1[%swap3A_1527, %swap3A_1528] : memref<17x16xf32, #tpu.memory_space<smem>>
    %swap3A_1530 = arith.constant 13 : index
    %swap3A_1531 = arith.constant 2 : index
    %swap3A_1532 = memref.load %arg1[%swap3A_1530, %swap3A_1531] : memref<17x16xf32, #tpu.memory_space<smem>>
    memref.store %mul3A_882, %arg1[%swap3A_1530, %swap3A_1531] : memref<17x16xf32, #tpu.memory_space<smem>>
    %swap3A_1533 = arith.constant 13 : index
    %swap3A_1534 = arith.constant 3 : index
    %swap3A_1535 = memref.load %arg1[%swap3A_1533, %swap3A_1534] : memref<17x16xf32, #tpu.memory_space<smem>>
    memref.store %mul3A_882, %arg1[%swap3A_1533, %swap3A_1534] : memref<17x16xf32, #tpu.memory_space<smem>>
    %swap3A_1536 = arith.constant 13 : index
    %swap3A_1537 = arith.constant 4 : index
    %swap3A_1538 = memref.load %arg1[%swap3A_1536, %swap3A_1537] : memref<17x16xf32, #tpu.memory_space<smem>>
    memref.store %mul3A_882, %arg1[%swap3A_1536, %swap3A_1537] : memref<17x16xf32, #tpu.memory_space<smem>>
    %swap3A_1539 = arith.constant 13 : index
    %swap3A_1540 = arith.constant 5 : index
    %swap3A_1541 = memref.load %arg1[%swap3A_1539, %swap3A_1540] : memref<17x16xf32, #tpu.memory_space<smem>>
    memref.store %mul3A_882, %arg1[%swap3A_1539, %swap3A_1540] : memref<17x16xf32, #tpu.memory_space<smem>>
    %swap3A_1542 = arith.constant 13 : index
    %swap3A_1543 = arith.constant 6 : index
    %swap3A_1544 = memref.load %arg1[%swap3A_1542, %swap3A_1543] : memref<17x16xf32, #tpu.memory_space<smem>>
    memref.store %mul3A_882, %arg1[%swap3A_1542, %swap3A_1543] : memref<17x16xf32, #tpu.memory_space<smem>>
    %swap3A_1545 = arith.constant 13 : index
    %swap3A_1546 = arith.constant 7 : index
    %swap3A_1547 = memref.load %arg1[%swap3A_1545, %swap3A_1546] : memref<17x16xf32, #tpu.memory_space<smem>>
    memref.store %mul3A_882, %arg1[%swap3A_1545, %swap3A_1546] : memref<17x16xf32, #tpu.memory_space<smem>>
    %swap3A_1548 = arith.constant 13 : index
    %swap3A_1549 = arith.constant 8 : index
    %swap3A_1550 = memref.load %arg1[%swap3A_1548, %swap3A_1549] : memref<17x16xf32, #tpu.memory_space<smem>>
    memref.store %mul3A_882, %arg1[%swap3A_1548, %swap3A_1549] : memref<17x16xf32, #tpu.memory_space<smem>>
    %swap3A_1551 = arith.constant 13 : index
    %swap3A_1552 = arith.constant 9 : index
    %swap3A_1553 = memref.load %arg1[%swap3A_1551, %swap3A_1552] : memref<17x16xf32, #tpu.memory_space<smem>>
    memref.store %mul3A_882, %arg1[%swap3A_1551, %swap3A_1552] : memref<17x16xf32, #tpu.memory_space<smem>>
    %swap3A_1554 = arith.constant 13 : index
    %swap3A_1555 = arith.constant 10 : index
    %swap3A_1556 = memref.load %arg1[%swap3A_1554, %swap3A_1555] : memref<17x16xf32, #tpu.memory_space<smem>>
    memref.store %mul3A_882, %arg1[%swap3A_1554, %swap3A_1555] : memref<17x16xf32, #tpu.memory_space<smem>>
    %swap3A_1557 = arith.constant 13 : index
    %swap3A_1558 = arith.constant 11 : index
    %swap3A_1559 = memref.load %arg1[%swap3A_1557, %swap3A_1558] : memref<17x16xf32, #tpu.memory_space<smem>>
    memref.store %mul3A_882, %arg1[%swap3A_1557, %swap3A_1558] : memref<17x16xf32, #tpu.memory_space<smem>>
    %swap3A_1560 = arith.constant 13 : index
    %swap3A_1561 = arith.constant 12 : index
    %swap3A_1562 = memref.load %arg1[%swap3A_1560, %swap3A_1561] : memref<17x16xf32, #tpu.memory_space<smem>>
    memref.store %mul3A_882, %arg1[%swap3A_1560, %swap3A_1561] : memref<17x16xf32, #tpu.memory_space<smem>>
    %swap3A_1563 = arith.constant 13 : index
    %swap3A_1564 = arith.constant 13 : index
    %swap3A_1565 = memref.load %arg1[%swap3A_1563, %swap3A_1564] : memref<17x16xf32, #tpu.memory_space<smem>>
    memref.store %mul3A_882, %arg1[%swap3A_1563, %swap3A_1564] : memref<17x16xf32, #tpu.memory_space<smem>>
    %swap3A_1566 = arith.constant 13 : index
    %swap3A_1567 = arith.constant 14 : index
    %swap3A_1568 = memref.load %arg1[%swap3A_1566, %swap3A_1567] : memref<17x16xf32, #tpu.memory_space<smem>>
    memref.store %mul3A_882, %arg1[%swap3A_1566, %swap3A_1567] : memref<17x16xf32, #tpu.memory_space<smem>>
    %swap3A_1569 = arith.constant 13 : index
    %swap3A_1570 = arith.constant 15 : index
    %swap3A_1571 = memref.load %arg1[%swap3A_1569, %swap3A_1570] : memref<17x16xf32, #tpu.memory_space<smem>>
    memref.store %mul3A_882, %arg1[%swap3A_1569, %swap3A_1570] : memref<17x16xf32, #tpu.memory_space<smem>>
    %swap3A_1572 = arith.constant 14 : index
    %swap3A_1573 = arith.constant 0 : index
    %swap3A_1574 = memref.load %arg1[%swap3A_1572, %swap3A_1573] : memref<17x16xf32, #tpu.memory_space<smem>>
    memref.store %mul3A_888, %arg1[%swap3A_1572, %swap3A_1573] : memref<17x16xf32, #tpu.memory_space<smem>>
    %swap3A_1575 = arith.constant 14 : index
    %swap3A_1576 = arith.constant 1 : index
    %swap3A_1577 = memref.load %arg1[%swap3A_1575, %swap3A_1576] : memref<17x16xf32, #tpu.memory_space<smem>>
    memref.store %mul3A_888, %arg1[%swap3A_1575, %swap3A_1576] : memref<17x16xf32, #tpu.memory_space<smem>>
    %swap3A_1578 = arith.constant 14 : index
    %swap3A_1579 = arith.constant 2 : index
    %swap3A_1580 = memref.load %arg1[%swap3A_1578, %swap3A_1579] : memref<17x16xf32, #tpu.memory_space<smem>>
    memref.store %mul3A_888, %arg1[%swap3A_1578, %swap3A_1579] : memref<17x16xf32, #tpu.memory_space<smem>>
    %swap3A_1581 = arith.constant 14 : index
    %swap3A_1582 = arith.constant 3 : index
    %swap3A_1583 = memref.load %arg1[%swap3A_1581, %swap3A_1582] : memref<17x16xf32, #tpu.memory_space<smem>>
    memref.store %mul3A_888, %arg1[%swap3A_1581, %swap3A_1582] : memref<17x16xf32, #tpu.memory_space<smem>>
    %swap3A_1584 = arith.constant 14 : index
    %swap3A_1585 = arith.constant 4 : index
    %swap3A_1586 = memref.load %arg1[%swap3A_1584, %swap3A_1585] : memref<17x16xf32, #tpu.memory_space<smem>>
    memref.store %mul3A_888, %arg1[%swap3A_1584, %swap3A_1585] : memref<17x16xf32, #tpu.memory_space<smem>>
    %swap3A_1587 = arith.constant 14 : index
    %swap3A_1588 = arith.constant 5 : index
    %swap3A_1589 = memref.load %arg1[%swap3A_1587, %swap3A_1588] : memref<17x16xf32, #tpu.memory_space<smem>>
    memref.store %mul3A_888, %arg1[%swap3A_1587, %swap3A_1588] : memref<17x16xf32, #tpu.memory_space<smem>>
    %swap3A_1590 = arith.constant 14 : index
    %swap3A_1591 = arith.constant 6 : index
    %swap3A_1592 = memref.load %arg1[%swap3A_1590, %swap3A_1591] : memref<17x16xf32, #tpu.memory_space<smem>>
    memref.store %mul3A_888, %arg1[%swap3A_1590, %swap3A_1591] : memref<17x16xf32, #tpu.memory_space<smem>>
    %swap3A_1593 = arith.constant 14 : index
    %swap3A_1594 = arith.constant 7 : index
    %swap3A_1595 = memref.load %arg1[%swap3A_1593, %swap3A_1594] : memref<17x16xf32, #tpu.memory_space<smem>>
    memref.store %mul3A_888, %arg1[%swap3A_1593, %swap3A_1594] : memref<17x16xf32, #tpu.memory_space<smem>>
    %swap3A_1596 = arith.constant 14 : index
    %swap3A_1597 = arith.constant 8 : index
    %swap3A_1598 = memref.load %arg1[%swap3A_1596, %swap3A_1597] : memref<17x16xf32, #tpu.memory_space<smem>>
    memref.store %mul3A_888, %arg1[%swap3A_1596, %swap3A_1597] : memref<17x16xf32, #tpu.memory_space<smem>>
    %swap3A_1599 = arith.constant 14 : index
    %swap3A_1600 = arith.constant 9 : index
    %swap3A_1601 = memref.load %arg1[%swap3A_1599, %swap3A_1600] : memref<17x16xf32, #tpu.memory_space<smem>>
    memref.store %mul3A_888, %arg1[%swap3A_1599, %swap3A_1600] : memref<17x16xf32, #tpu.memory_space<smem>>
    %swap3A_1602 = arith.constant 14 : index
    %swap3A_1603 = arith.constant 10 : index
    %swap3A_1604 = memref.load %arg1[%swap3A_1602, %swap3A_1603] : memref<17x16xf32, #tpu.memory_space<smem>>
    memref.store %mul3A_888, %arg1[%swap3A_1602, %swap3A_1603] : memref<17x16xf32, #tpu.memory_space<smem>>
    %swap3A_1605 = arith.constant 14 : index
    %swap3A_1606 = arith.constant 11 : index
    %swap3A_1607 = memref.load %arg1[%swap3A_1605, %swap3A_1606] : memref<17x16xf32, #tpu.memory_space<smem>>
    memref.store %mul3A_888, %arg1[%swap3A_1605, %swap3A_1606] : memref<17x16xf32, #tpu.memory_space<smem>>
    %swap3A_1608 = arith.constant 14 : index
    %swap3A_1609 = arith.constant 12 : index
    %swap3A_1610 = memref.load %arg1[%swap3A_1608, %swap3A_1609] : memref<17x16xf32, #tpu.memory_space<smem>>
    memref.store %mul3A_888, %arg1[%swap3A_1608, %swap3A_1609] : memref<17x16xf32, #tpu.memory_space<smem>>
    %swap3A_1611 = arith.constant 14 : index
    %swap3A_1612 = arith.constant 13 : index
    %swap3A_1613 = memref.load %arg1[%swap3A_1611, %swap3A_1612] : memref<17x16xf32, #tpu.memory_space<smem>>
    memref.store %mul3A_888, %arg1[%swap3A_1611, %swap3A_1612] : memref<17x16xf32, #tpu.memory_space<smem>>
    %swap3A_1614 = arith.constant 14 : index
    %swap3A_1615 = arith.constant 14 : index
    %swap3A_1616 = memref.load %arg1[%swap3A_1614, %swap3A_1615] : memref<17x16xf32, #tpu.memory_space<smem>>
    memref.store %mul3A_888, %arg1[%swap3A_1614, %swap3A_1615] : memref<17x16xf32, #tpu.memory_space<smem>>
    %swap3A_1617 = arith.constant 14 : index
    %swap3A_1618 = arith.constant 15 : index
    %swap3A_1619 = memref.load %arg1[%swap3A_1617, %swap3A_1618] : memref<17x16xf32, #tpu.memory_space<smem>>
    memref.store %mul3A_888, %arg1[%swap3A_1617, %swap3A_1618] : memref<17x16xf32, #tpu.memory_space<smem>>
    %swap3A_1620 = arith.constant 15 : index
    %swap3A_1621 = arith.constant 0 : index
    %swap3A_1622 = memref.load %arg1[%swap3A_1620, %swap3A_1621] : memref<17x16xf32, #tpu.memory_space<smem>>
    memref.store %mul3A_894, %arg1[%swap3A_1620, %swap3A_1621] : memref<17x16xf32, #tpu.memory_space<smem>>
    %swap3A_1623 = arith.constant 15 : index
    %swap3A_1624 = arith.constant 1 : index
    %swap3A_1625 = memref.load %arg1[%swap3A_1623, %swap3A_1624] : memref<17x16xf32, #tpu.memory_space<smem>>
    memref.store %mul3A_894, %arg1[%swap3A_1623, %swap3A_1624] : memref<17x16xf32, #tpu.memory_space<smem>>
    %swap3A_1626 = arith.constant 15 : index
    %swap3A_1627 = arith.constant 2 : index
    %swap3A_1628 = memref.load %arg1[%swap3A_1626, %swap3A_1627] : memref<17x16xf32, #tpu.memory_space<smem>>
    memref.store %mul3A_894, %arg1[%swap3A_1626, %swap3A_1627] : memref<17x16xf32, #tpu.memory_space<smem>>
    %swap3A_1629 = arith.constant 15 : index
    %swap3A_1630 = arith.constant 3 : index
    %swap3A_1631 = memref.load %arg1[%swap3A_1629, %swap3A_1630] : memref<17x16xf32, #tpu.memory_space<smem>>
    memref.store %mul3A_894, %arg1[%swap3A_1629, %swap3A_1630] : memref<17x16xf32, #tpu.memory_space<smem>>
    %swap3A_1632 = arith.constant 15 : index
    %swap3A_1633 = arith.constant 4 : index
    %swap3A_1634 = memref.load %arg1[%swap3A_1632, %swap3A_1633] : memref<17x16xf32, #tpu.memory_space<smem>>
    memref.store %mul3A_894, %arg1[%swap3A_1632, %swap3A_1633] : memref<17x16xf32, #tpu.memory_space<smem>>
    %swap3A_1635 = arith.constant 15 : index
    %swap3A_1636 = arith.constant 5 : index
    %swap3A_1637 = memref.load %arg1[%swap3A_1635, %swap3A_1636] : memref<17x16xf32, #tpu.memory_space<smem>>
    memref.store %mul3A_894, %arg1[%swap3A_1635, %swap3A_1636] : memref<17x16xf32, #tpu.memory_space<smem>>
    %swap3A_1638 = arith.constant 15 : index
    %swap3A_1639 = arith.constant 6 : index
    %swap3A_1640 = memref.load %arg1[%swap3A_1638, %swap3A_1639] : memref<17x16xf32, #tpu.memory_space<smem>>
    memref.store %mul3A_894, %arg1[%swap3A_1638, %swap3A_1639] : memref<17x16xf32, #tpu.memory_space<smem>>
    %swap3A_1641 = arith.constant 15 : index
    %swap3A_1642 = arith.constant 7 : index
    %swap3A_1643 = memref.load %arg1[%swap3A_1641, %swap3A_1642] : memref<17x16xf32, #tpu.memory_space<smem>>
    memref.store %mul3A_894, %arg1[%swap3A_1641, %swap3A_1642] : memref<17x16xf32, #tpu.memory_space<smem>>
    %swap3A_1644 = arith.constant 15 : index
    %swap3A_1645 = arith.constant 8 : index
    %swap3A_1646 = memref.load %arg1[%swap3A_1644, %swap3A_1645] : memref<17x16xf32, #tpu.memory_space<smem>>
    memref.store %mul3A_894, %arg1[%swap3A_1644, %swap3A_1645] : memref<17x16xf32, #tpu.memory_space<smem>>
    %swap3A_1647 = arith.constant 15 : index
    %swap3A_1648 = arith.constant 9 : index
    %swap3A_1649 = memref.load %arg1[%swap3A_1647, %swap3A_1648] : memref<17x16xf32, #tpu.memory_space<smem>>
    memref.store %mul3A_894, %arg1[%swap3A_1647, %swap3A_1648] : memref<17x16xf32, #tpu.memory_space<smem>>
    %swap3A_1650 = arith.constant 15 : index
    %swap3A_1651 = arith.constant 10 : index
    %swap3A_1652 = memref.load %arg1[%swap3A_1650, %swap3A_1651] : memref<17x16xf32, #tpu.memory_space<smem>>
    memref.store %mul3A_894, %arg1[%swap3A_1650, %swap3A_1651] : memref<17x16xf32, #tpu.memory_space<smem>>
    %swap3A_1653 = arith.constant 15 : index
    %swap3A_1654 = arith.constant 11 : index
    %swap3A_1655 = memref.load %arg1[%swap3A_1653, %swap3A_1654] : memref<17x16xf32, #tpu.memory_space<smem>>
    memref.store %mul3A_894, %arg1[%swap3A_1653, %swap3A_1654] : memref<17x16xf32, #tpu.memory_space<smem>>
    %swap3A_1656 = arith.constant 15 : index
    %swap3A_1657 = arith.constant 12 : index
    %swap3A_1658 = memref.load %arg1[%swap3A_1656, %swap3A_1657] : memref<17x16xf32, #tpu.memory_space<smem>>
    memref.store %mul3A_894, %arg1[%swap3A_1656, %swap3A_1657] : memref<17x16xf32, #tpu.memory_space<smem>>
    %swap3A_1659 = arith.constant 15 : index
    %swap3A_1660 = arith.constant 13 : index
    %swap3A_1661 = memref.load %arg1[%swap3A_1659, %swap3A_1660] : memref<17x16xf32, #tpu.memory_space<smem>>
    memref.store %mul3A_894, %arg1[%swap3A_1659, %swap3A_1660] : memref<17x16xf32, #tpu.memory_space<smem>>
    %swap3A_1662 = arith.constant 15 : index
    %swap3A_1663 = arith.constant 14 : index
    %swap3A_1664 = memref.load %arg1[%swap3A_1662, %swap3A_1663] : memref<17x16xf32, #tpu.memory_space<smem>>
    memref.store %mul3A_894, %arg1[%swap3A_1662, %swap3A_1663] : memref<17x16xf32, #tpu.memory_space<smem>>
    %swap3A_1665 = arith.constant 15 : index
    %swap3A_1666 = arith.constant 15 : index
    %swap3A_1667 = memref.load %arg1[%swap3A_1665, %swap3A_1666] : memref<17x16xf32, #tpu.memory_space<smem>>
    memref.store %mul3A_894, %arg1[%swap3A_1665, %swap3A_1666] : memref<17x16xf32, #tpu.memory_space<smem>>
    %swap3A_1668 = arith.constant 16 : index
    %swap3A_1669 = arith.constant 0 : index
    %swap3A_1670 = memref.load %arg1[%swap3A_1668, %swap3A_1669] : memref<17x16xf32, #tpu.memory_space<smem>>
    memref.store %mul3A_900, %arg1[%swap3A_1668, %swap3A_1669] : memref<17x16xf32, #tpu.memory_space<smem>>
    %swap3A_1671 = arith.constant 16 : index
    %swap3A_1672 = arith.constant 1 : index
    %swap3A_1673 = memref.load %arg1[%swap3A_1671, %swap3A_1672] : memref<17x16xf32, #tpu.memory_space<smem>>
    memref.store %mul3A_900, %arg1[%swap3A_1671, %swap3A_1672] : memref<17x16xf32, #tpu.memory_space<smem>>
    %swap3A_1674 = arith.constant 16 : index
    %swap3A_1675 = arith.constant 2 : index
    %swap3A_1676 = memref.load %arg1[%swap3A_1674, %swap3A_1675] : memref<17x16xf32, #tpu.memory_space<smem>>
    memref.store %mul3A_900, %arg1[%swap3A_1674, %swap3A_1675] : memref<17x16xf32, #tpu.memory_space<smem>>
    %swap3A_1677 = arith.constant 16 : index
    %swap3A_1678 = arith.constant 3 : index
    %swap3A_1679 = memref.load %arg1[%swap3A_1677, %swap3A_1678] : memref<17x16xf32, #tpu.memory_space<smem>>
    memref.store %mul3A_900, %arg1[%swap3A_1677, %swap3A_1678] : memref<17x16xf32, #tpu.memory_space<smem>>
    %swap3A_1680 = arith.constant 16 : index
    %swap3A_1681 = arith.constant 4 : index
    %swap3A_1682 = memref.load %arg1[%swap3A_1680, %swap3A_1681] : memref<17x16xf32, #tpu.memory_space<smem>>
    memref.store %mul3A_900, %arg1[%swap3A_1680, %swap3A_1681] : memref<17x16xf32, #tpu.memory_space<smem>>
    %swap3A_1683 = arith.constant 16 : index
    %swap3A_1684 = arith.constant 5 : index
    %swap3A_1685 = memref.load %arg1[%swap3A_1683, %swap3A_1684] : memref<17x16xf32, #tpu.memory_space<smem>>
    memref.store %mul3A_900, %arg1[%swap3A_1683, %swap3A_1684] : memref<17x16xf32, #tpu.memory_space<smem>>
    %swap3A_1686 = arith.constant 16 : index
    %swap3A_1687 = arith.constant 6 : index
    %swap3A_1688 = memref.load %arg1[%swap3A_1686, %swap3A_1687] : memref<17x16xf32, #tpu.memory_space<smem>>
    memref.store %mul3A_900, %arg1[%swap3A_1686, %swap3A_1687] : memref<17x16xf32, #tpu.memory_space<smem>>
    %swap3A_1689 = arith.constant 16 : index
    %swap3A_1690 = arith.constant 7 : index
    %swap3A_1691 = memref.load %arg1[%swap3A_1689, %swap3A_1690] : memref<17x16xf32, #tpu.memory_space<smem>>
    memref.store %mul3A_900, %arg1[%swap3A_1689, %swap3A_1690] : memref<17x16xf32, #tpu.memory_space<smem>>
    %swap3A_1692 = arith.constant 16 : index
    %swap3A_1693 = arith.constant 8 : index
    %swap3A_1694 = memref.load %arg1[%swap3A_1692, %swap3A_1693] : memref<17x16xf32, #tpu.memory_space<smem>>
    memref.store %mul3A_900, %arg1[%swap3A_1692, %swap3A_1693] : memref<17x16xf32, #tpu.memory_space<smem>>
    %swap3A_1695 = arith.constant 16 : index
    %swap3A_1696 = arith.constant 9 : index
    %swap3A_1697 = memref.load %arg1[%swap3A_1695, %swap3A_1696] : memref<17x16xf32, #tpu.memory_space<smem>>
    memref.store %mul3A_900, %arg1[%swap3A_1695, %swap3A_1696] : memref<17x16xf32, #tpu.memory_space<smem>>
    %swap3A_1698 = arith.constant 16 : index
    %swap3A_1699 = arith.constant 10 : index
    %swap3A_1700 = memref.load %arg1[%swap3A_1698, %swap3A_1699] : memref<17x16xf32, #tpu.memory_space<smem>>
    memref.store %mul3A_900, %arg1[%swap3A_1698, %swap3A_1699] : memref<17x16xf32, #tpu.memory_space<smem>>
    %swap3A_1701 = arith.constant 16 : index
    %swap3A_1702 = arith.constant 11 : index
    %swap3A_1703 = memref.load %arg1[%swap3A_1701, %swap3A_1702] : memref<17x16xf32, #tpu.memory_space<smem>>
    memref.store %mul3A_900, %arg1[%swap3A_1701, %swap3A_1702] : memref<17x16xf32, #tpu.memory_space<smem>>
    %swap3A_1704 = arith.constant 16 : index
    %swap3A_1705 = arith.constant 12 : index
    %swap3A_1706 = memref.load %arg1[%swap3A_1704, %swap3A_1705] : memref<17x16xf32, #tpu.memory_space<smem>>
    memref.store %mul3A_900, %arg1[%swap3A_1704, %swap3A_1705] : memref<17x16xf32, #tpu.memory_space<smem>>
    %swap3A_1707 = arith.constant 16 : index
    %swap3A_1708 = arith.constant 13 : index
    %swap3A_1709 = memref.load %arg1[%swap3A_1707, %swap3A_1708] : memref<17x16xf32, #tpu.memory_space<smem>>
    memref.store %mul3A_900, %arg1[%swap3A_1707, %swap3A_1708] : memref<17x16xf32, #tpu.memory_space<smem>>
    %swap3A_1710 = arith.constant 16 : index
    %swap3A_1711 = arith.constant 14 : index
    %swap3A_1712 = memref.load %arg1[%swap3A_1710, %swap3A_1711] : memref<17x16xf32, #tpu.memory_space<smem>>
    memref.store %mul3A_900, %arg1[%swap3A_1710, %swap3A_1711] : memref<17x16xf32, #tpu.memory_space<smem>>
    %swap3A_1713 = arith.constant 16 : index
    %swap3A_1714 = arith.constant 15 : index
    %swap3A_1715 = memref.load %arg1[%swap3A_1713, %swap3A_1714] : memref<17x16xf32, #tpu.memory_space<smem>>
    memref.store %mul3A_900, %arg1[%swap3A_1713, %swap3A_1714] : memref<17x16xf32, #tpu.memory_space<smem>>
    return
  }
}

</mosaic_0001>

<sc_bundles>
// kernel: kernel.4.cloned.1.call-start
scs
__scs_entry_jumppad:
0x0: {  	(pc) =	sbr.rel $0x88, $3  }
0x1: {  	(tag) =	ssettag $0x0;
	lr =	simm.s32 $0x1  }
0x2: {  	[smem:$0x3F9F] =	sst lr;
	_ =	strace $0xD0000000  }
0x3: {  	_ = 	snop  }
0x4: {  	_ = 	snop  }
0x5: {  	_ = 	snop  }
0x6: {  	_ = 	snop  }
0x7: {  	_ = 	snop  }
__scs_overlays_trampoline_lowered:
0x8: {  	[smem:$0x3FAE] =	sst s0  }
0x9: {  	[smem:$0x3FAF] =	sst s1  }
0xa: {  	[smem:$0x3FB0] =	sst s2  }
0xb: {  	[smem:$0x3FB1] =	sst s3  }
0xc: {  	[smem:$0x3FB2] =	sst s4  }
0xd: {  	[smem:$0x3FB3] =	sst s5  }
0xe: {  	[smem:$0x3FB4] =	sst s6  }
0xf: {  	[smem:$0x3FB5] =	sst s7  }
0x10: {  	[smem:$0x3FB6] =	sst s8  }
0x11: {  	[smem:$0x3FB7] =	sst s9;
	s0 =	simm.s32 @!p0 $0x0  }
0x12: {  	s1 =	sld [smem:$0x3F9D];
	s0 =	simm.s32 @p0 $0x1  }
0x13: {  	[smem:$0x3FB8] =	sst s0;
	s0 =	simm.s32 @!p1 $0x0  }
0x14: {  	s2 =	sld [smem:$0x3F9C];
	s0 =	simm.s32 @p1 $0x1  }
0x15: {  	[smem:$0x3FB9] =	sst s0;
	s0 =	simm.s32 @!p2 $0x0  }
0x16: {  	s3 =	sld [smem:$0x3FDB];
	s0 =	simm.s32 @p2 $0x1  }
0x17: {  	s4 =	simm.s32 $0x1BF5;
	[smem:$0x3FBB] =	sst s0  }
0x18: {  	s0 =	sld [smem:$0x3F9E];
	_ =	swait.ge [sflag:s4], $0x0  }
0x19: {  	s7 =	sld [smem:$0x3F9F]  }
0x1a: {  	s8 =	sadd.s32 $0xFFFFE003, lr  }
0x1b: {  	s9 =	sadd.s32 $0xFFFFFEF7, lr;
	s5 =	simm.s32 $0xFFFFFFFF;
	p2 =	slt.u32 s8, $0xFFFFF086  }
0x1c: {  	p1 =	slt.u32 s9, $0xF7A;
	s5 =	simm.s32 @!p2 $0x0  }
0x1d: {  	s5 =	simm.s32 @p1 $0x1;
	p0 =	seq.s32 s7, s2  }
0x1e: {  	s7 =	smul.u32 @!p0 $0xF7A, s2;
	p2 =	seq.s32 @!p0 s5, $0x0  }
0x1f: {  	s9 =	smul.u32 $0xF7A, s1;
	s8 =	simm.s32 @!p0 $0x1BF5;
	p2 =	por !p2, p0  }
0x20: {  	[sflag:s8] =	ssyncset.s32 @!p0 $0xFFFFF086;
	s6 =	sadd.s32 @!p0 s3, s7;
	s7 =	simm.s32 @!p0 $0x108  }
0x21: {  	s3 =	sadd.s32 s3, s9;
	s6 =	sadd.s32 @!p0 $0x88, s6;
	s7 =	simm.s32 @p2 $0x1082  }
0x22: {  	[simem:s7], [sflag:s8] =	dma.local @!p0 [hbm:s6], $0xF7A  }
0x23: {  	s9 =	sor.u32 $0xD0000000, s2;
	s6 =	simm.s32 $0x108;
	_ =	swait.ge @!p0 [sflag:s8], $0x0  }
0x24: {  	s3 =	sadd.s32 $0x88, s3;
	s6 =	simm.s32 @!p1 $0x1082;
	[sflag:s4] =	ssyncset.s32 $0xFFFFF086  }
0x25: {  	[simem:s6], [sflag:s4] =	dma.local [hbm:s3], $0xF7A  }
0x26: {  	[smem:$0x3F9F] =	sst s1;
	(tag) =	ssettag s2;
	_ =	strace s9  }
0x27: {  	s1 =	sld [smem:$0x3FAF]  }
0x28: {  	s2 =	sld [smem:$0x3FB0]  }
0x29: {  	s4 =	sld [smem:$0x3FB2]  }
0x2a: {  	p0 =	seq.s32 s5, $0x0;
	s5 =	sld [smem:$0x3FB3]  }
0x2b: {  	s6 =	sld [smem:$0x3FB4]  }
0x2c: {  	s7 =	sld [smem:$0x3FB5]  }
0x2d: {  	s3 =	simm.s32 $0x108;
	s8 =	sld [smem:$0x3FB6]  }
0x2e: {  	s3 =	simm.s32 @!p0 $0x1082;
	s9 =	sld [smem:$0x3FB7]  }
0x2f: {  	lr =	sadd.s32 s0, s3;
	s0 =	sld [smem:$0x3FAE]  }
0x30: {  	s3 =	sld [smem:$0x3FB1]  }
0x31: {  	[smem:$0x3FBA] =	sst s10  }
0x32: {  	s10 =	sld [smem:$0x3FB8];
	_ =	sdelay $0x3  }
0x33: {  	p0 =	seq.s32 s10, $0x1;
	s10 =	sld [smem:$0x3FBA];
	_ =	sdelay $0x3  }
0x34: {  	[smem:$0x3FBA] =	sst s10  }
0x35: {  	s10 =	sld [smem:$0x3FB9];
	_ =	sdelay $0x3  }
0x36: {  	p1 =	seq.s32 s10, $0x1;
	s10 =	sld [smem:$0x3FBA];
	_ =	sdelay $0x3  }
0x37: {  	[smem:$0x3FBA] =	sst s10  }
0x38: {  	s10 =	sld [smem:$0x3FBB]  }
0x39: {  	_ = 	snop;
	(pc) =	sbr.ind lr, $3  }
0x3a: {  	_ = 	snop  }
0x3b: {  	_ = 	snop  }
0x3c: {  	p2 =	seq.s32 s10, $0x1;
	s10 =	sld [smem:$0x3FBA]  }
0x3d: {  	_ =	shalt  }
0x3e: {  	_ =	shalt  }
0x3f: {  	_ =	shalt  }
0x40: {  	_ =	shalt  }
0x41: {  	_ =	shalt  }
0x42: {  	_ =	shalt  }
0x43: {  	_ =	shalt  }
0x44: {  	_ =	shalt  }
0x45: {  	_ =	shalt  }
0x46: {  	_ =	shalt  }
0x47: {  	_ =	shalt  }
0x48: {  	_ =	shalt  }
0x49: {  	_ =	shalt  }
0x4a: {  	_ =	shalt  }
0x4b: {  	_ =	shalt  }
0x4c: {  	_ =	shalt  }
0x4d: {  	_ =	shalt  }
0x4e: {  	_ =	shalt  }
0x4f: {  	_ =	shalt  }
0x50: {  	_ =	shalt  }
0x51: {  	_ =	shalt  }
0x52: {  	_ =	shalt  }
0x53: {  	_ =	shalt  }
0x54: {  	_ =	shalt  }
0x55: {  	_ =	shalt  }
0x56: {  	_ =	shalt  }
0x57: {  	_ =	shalt  }
0x58: {  	_ =	shalt  }
0x59: {  	_ =	shalt  }
0x5a: {  	_ =	shalt  }
0x5b: {  	_ =	shalt  }
0x5c: {  	_ =	shalt  }
0x5d: {  	_ =	shalt  }
0x5e: {  	_ =	shalt  }
0x5f: {  	_ =	shalt  }
0x60: {  	_ =	shalt  }
0x61: {  	_ =	shalt  }
0x62: {  	_ =	shalt  }
0x63: {  	_ =	shalt  }
0x64: {  	_ =	shalt  }
0x65: {  	_ =	shalt  }
0x66: {  	_ =	shalt  }
0x67: {  	_ =	shalt  }
0x68: {  	_ =	shalt  }
0x69: {  	_ =	shalt  }
0x6a: {  	_ =	shalt  }
0x6b: {  	_ =	shalt  }
0x6c: {  	_ =	shalt  }
0x6d: {  	_ =	shalt  }
0x6e: {  	_ =	shalt  }
0x6f: {  	_ =	shalt  }
0x70: {  	_ =	shalt  }
0x71: {  	_ =	shalt  }
0x72: {  	_ =	shalt  }
0x73: {  	_ =	shalt  }
0x74: {  	_ =	shalt  }
0x75: {  	_ =	shalt  }
0x76: {  	_ =	shalt  }
0x77: {  	_ =	shalt  }
0x78: {  	_ =	shalt  }
0x79: {  	_ =	shalt  }
0x7a: {  	_ =	shalt  }
0x7b: {  	_ =	shalt  }
0x7c: {  	_ =	shalt  }
0x7d: {  	_ =	shalt  }
0x7e: {  	_ =	shalt  }
0x7f: {  	_ =	shalt  }
0x80: {  	_ =	shalt  }
0x81: {  	_ =	shalt  }
0x82: {  	_ =	shalt  }
0x83: {  	_ =	shalt  }
0x84: {  	_ =	shalt  }
0x85: {  	_ =	shalt  }
0x86: {  	_ =	shalt  }
0x87: {  	_ =	shalt  }
.Lfunc_end0:
.L_simem_size_0:
called_computation_lowered:
.L_overlay_start_0:
0x88: {  	s2 =	sld [smem:$0x3FD9]  }
0x89: {  	s3 =	sld [smem:$0x3FFE];
	_ =	sdelay $0x1  }
0x8a: {  	s1 =	srdreg.scid  }
0x8b: {  	s0 =	sand.u32 $0x1, s1  }
0x8c: {  	s17 =	sshll.u32 s0, $0xA;
	s2 =	sadd.s32 s3, s2  }
0x8d: {  	s2 =	sadd.s32 s2, s17  }
0x8e: {  	[smem:$0x3FC6] =	sst s2  }
0x8f: {  	_ = 	snop  }
0x90: {  	s2 =	sld [smem:$0x3FC9]  }
0x91: {  	s18 =	sld [smem:$0x3FD0];
	(tm) =	ssettm $0x1  }
0x92: {  	s4 =	sld [smem:$0x3FFB];
	_ =	sdelay $0x3  }
0x93: {  	_ =	strace s4  }
0x94: {  	s4 =	sld [smem:$0x3FFC];
	_ =	sdelay $0x3  }
0x95: {  	_ =	strace s4  }
0x96: {  	s4 =	sld [smem:$0x3FFD];
	_ =	sdelay $0x3  }
0x97: {  	_ =	strace s4  }
0x98: {  	_ =	strace $0x8FFFFFFF  }
0x99: {  	s19 =	sld [smem:$0x3FDB];
	_ =	sdelay $0x1  }
0x9a: {  	s5 =	simm.s32 $_scs_section_size  }
0x9b: {  	s6 =	simm.s32 $_size__tile_overlayer_lowered;
	s7 =	simm.s32 $_tile_overlayer_lowered  }
0x9c: {  	s22 =	simm.s32 $0x1BFF;
	s21 =	sshll.u32 s7, $0x1;
	s4 =	sadd.s32 s5, s19  }
0x9d: {  	s8 =	simm.s32 $0x0;
	s20 =	sshll.u32 s6, $0x1;
	s6 =	sadd.s32 s21, s4  }
0x9e: {  	[timem:s8], [sflag:s22] =	dma.local [hbm:s6], s20  }
0x9f: {  	_ =	swait.ge [sflag:s22], s20  }
0xa0: {  	s5 =	ssub.s32 $0x0, s20;
	[sflag:s22] =	ssyncset.done $0x0  }
0xa1: {  	[sflag:s22] =	ssyncadd.s32 s5;
	_ =	sdelay $0x1  }
0xa2: {  	s23 =	simm.s32 $0x1B8B  }
0xa3: {  	_ =	swait.ge [sflag:s23], $0x1  }
0xa4: {  	[sflag:s23] =	ssyncset.done $0x0  }
0xa5: {  	s25 =	simm.s32 $0x1B8E;
	s24 =	sld [smem:$0x3FFE];
	[sflag:s23] =	ssyncadd.s32 $0xFFFFFFFF  }
0xa6: {  	s26 =	simm.s32 $execute0_lowered;
	[smem:$0x3FD2] =	sst s25  }
0xa7: {  	s6 =	sshll.u32 s26, $0x1;
	_ =	strace $0x80000046;
	[dreg:$0x1] =	wrdreg $0xFFFFFFFF  }
0xa8: {  	s28 =	simm.s32 $_size_execute0_lowered;
	s4 =	sadd.s32 s4, s6;
	[dreg:$0x0] =	wrdreg $0x0  }
0xa9: {  	s6 =	sshll.u32 s28, $0x1;
	[dreg:$0x2] =	wrdreg s4  }
0xaa: {  	[dreg:$0x3] =	wrdreg s6  }
0xab: {  	[dreg:$0x4] =	wrdreg $0xC0  }
0xac: {  	_ =	task [dreg:s8], $0x5FFFF  }
0xad: {  	[dreg:$0x1] =	wrdreg $0xFFFFFFFF  }
0xae: {  	[dreg:$0x0] =	wrdreg $0x60  }
0xaf: {  	[dreg:$0x2] =	wrdreg s2  }
0xb0: {  	[dreg:$0x3] =	wrdreg s18  }
0xb1: {  	[dreg:$0x4] =	wrdreg s24  }
0xb2: {  	[dreg:$0x5] =	wrdreg $0x9  }
0xb3: {  	_ =	task.clear_ibuf [dreg:s8], $0x6FFFF;
	_ =	strace $0x90000046  }
0xb4: {  	s29 =	simm.s32 $0x9;
	_ =	strace $0x80000048  }
0xb5: {  	_ =	swait.ge [sflag:s29], $0x1  }
0xb6: {  	[sflag:s29] =	ssyncadd.s32 $0xFFFFFFFF  }
0xb7: {  	_ =	strace $0x90000048  }
0xb8: {  	_ =	sfence  }
0xb9: {  	s30 =	sld [smem:$0x0];
	_ =	sdelay $0x2  }
0xba: {  	s31 =	sshll.u32 s1, $0xD;
	s1 =	sshrl.u32 s1, $0x2  }
0xbb: {  	s3 =	sand.u32 $0x4000, s31;
	s1 =	sadd.s32 s1, s30  }
0xbc: {  	s0 =	sor.u32 s3, s0;
	s1 =	sshll.u32 s1, $0x11  }
0xbd: {  	s0 =	sor.u32 s1, s0  }
0xbe: {  	s0 =	sadd.s32 $0x8F2B, s0  }
0xbf: {  	[sflag:s0] =	ssyncadd.remote.s32 $0x1  }
0xc0: {  	_ =	sfence.sel $0xFFFF  }
0xc1: {  	[dreg:$0x0] =	wrdreg $0xFFFFFFFF;
	(pc) =	sbr.abs _section_cstart, $3  }
0xc2: {  	[dreg:$0x1] =	wrdreg $0xFFFFFFFF  }
0xc3: {  	_ =	task.clear_ibuf [dreg:s8], $0x2FFFF;
	_ =	strace $0x9FFFFFFF  }
0xc4: {  	(tm) =	ssettm $0x7FFFFFFF  }
0xc5: {  	_ =	shalt  }
tec
execute0_lowered:
.L_overlay_start_1:
0x0: {  	(tag) =	ssettag $0x1  }
0x1: {  	s1 =	srdreg.scid;
	s4 =	rddreg [dreg:$0x0]  }
0x2: {  	s0 =	stileid.u32;
	s2 =	rddreg [dreg:$0x1]  }
0x3: {  	s6 =	rddreg [dreg:$0x2];
	s5 =	sand.u32 $0x1, s1;
	s31 =	sshll.u32 s0, $0x1  }
0x4: {  	s3 =	simm.s32 $0x0;
	s9 =	simm.s32 $0x1260;
	s1 =	sor.u32 s5, s31  }
0x5: {  	s10 =	simm.s32 $0x620;
	s11 =	simm.s32 $0xC40;
	s7 =	smul.u32 $0x620, s1  }
0x6: {  	s12 =	simm.s32 $0x0;
	[smem:$0x7FF] =	sst s3;
	s5 =	ssub.s32 $0x2, s5  }
0x7: {  	s1 =	rddreg [dreg:$0x3];
	s8 =	sshrl.u32 s5, $0x1;
	s7 =	smin.u32 s7, $0xBD30  }
0x8: {  	_ =	strace $0x80000047;
	s8 =	ssub.s32 s5, s8;
	s7 =	sshrl.u32 s7, $0x3  }
0x9: {  	s6 =	sadd.s32 s7, s6;
	s4 =	sadd.s32 s4, s7;
	s7 =	smax.u32 s8, $0x1  }
0xa: {  	s8 =	simm.s32 $0x1;
	s5 =	sadd.s32 $0x800, s6;
	s6 =	sadd.s32 $0x206A, s6  }
.LBB2_1:
0xb: {  	[tilespmem:s3], [sflag:$0x1] =	stream.linear.gather [hbm4b:s4+s3], $0x620, $0x38;
	[tilespmem:$0x1370] =	vst v63  }
0xc: {  	_ =	swait.ge [sflag:s8], $0x620  }
0xd: {  	[sflag:s8] =	ssyncset.done $0x0  }
0xe: {  	[sflag:s8] =	ssyncadd.s32 $0xFFFFF9E0  }
0xf: {  	[tilespmem:s9], [sflag:$0x1] =	stream.linear.gather [hbm4b:s2+s3], $0x110, $0x38;
	[tilespmem:$0x1370] =	vst v63  }
0x10: {  	_ =	swait.ge [sflag:s8], $0x110  }
0x11: {  	[sflag:s8] =	ssyncset.done $0x0  }
0x12: {  	[sflag:s8] =	ssyncadd.s32 $0xFFFFFEF0  }
0x13: {  	v8 =	vld [tilespmem:$0x1260]  }
0x14: {  	v0 =	vld [tilespmem:$0x1270]  }
0x15: {  	v4 =	vld [tilespmem:$0x1280]  }
0x16: {  	v6 =	vld [tilespmem:$0x1290]  }
0x17: {  	v10 =	vld [tilespmem:$0x12A0]  }
0x18: {  	v1 =	vld [tilespmem:$0x12B0]  }
0x19: {  	v5 =	vld [tilespmem:$0x12C0]  }
0x1a: {  	v9 =	vld [tilespmem:$0x12D0]  }
0x1b: {  	v13 =	vld [tilespmem:$0x12E0]  }
0x1c: {  	v2 =	vld [tilespmem:$0x12F0]  }
0x1d: {  	v7 =	vld [tilespmem:$0x1300]  }
0x1e: {  	s13 =	simm.s32 $0x0;
	v14 =	vld [tilespmem:$0x1310]  }
0x1f: {  	v19 =	vld [tilespmem:s13+$0x0]  }
0x20: {  	v16 =	vld [tilespmem:$0x1320]  }
0x21: {  	v17 =	vld [tilespmem:$0x1360]  }
0x22: {  	v3 =	vld [tilespmem:$0x1330]  }
0x23: {  	v15 =	vld [tilespmem:$0x1350]  }
0x24: {  	s14 =	simm.s32 $0x10;
	v11 =	vld [tilespmem:$0x1340];
	vm0 =	vge.f32 v19, v8  }
0x25: {  	v12 =	vld [tilespmem:s14+$0x0];
	v18 =	vsel vm0, v16, v10  }
0x26: {  	v20 =	vsel vm0, v17, v13;
	v18 =	vmul.f32 v18, v19  }
0x27: {  	v21 =	vsel vm0, v14, v6;
	v20 =	vmul.f32 v20, v19  }
0x28: {  	v23 =	vsel vm0, v7, v4;
	v22 =	vsel vm0, v15, v9;
	v18 =	vadd.f32 v18, v21  }
0x29: {  	v26 =	vsel vm0, v2, v0;
	v27 =	vsel vm0, v3, v1;
	v24 =	vadd.f32 v20, v22  }
0x2a: {  	v21 =	vsel vm0, v11, v5;
	vm0 =	vge.f32 v12, v8;
	v25 =	vmul.f32 v18, v19  }
0x2b: {  	s15 =	simm.s32 $0x20;
	v22 =	vsel vm0, v7, v4;
	v20 =	vsel vm0, v11, v5;
	v24 =	vmul.f32 v24, v19  }
0x2c: {  	v28 =	vsel vm0, v16, v10;
	v29 =	vsel vm0, v17, v13;
	v18 =	vld [tilespmem:s15+$0x0];
	v23 =	vadd.f32 v25, v23  }
0x2d: {  	v61 =	vmul.f32 v29, v12;
	v25 =	vmul.f32 v28, v12;
	v21 =	vadd.f32 v24, v21  }
0x2e: {  	v62 =	vsel vm0, v15, v9;
	v24 =	vsel vm0, v14, v6;
	v23 =	vmul.f32 v23, v19  }
0x2f: {  	v24 =	vadd.f32 v25, v24;
	v25 =	vadd.f32 v61, v62;
	v63 =	vmul.f32 v21, v19  }
0x30: {  	v21 =	vsel vm0, v2, v0;
	v19 =	vsel vm0, v3, v1;
	v23 =	vadd.f32 v23, v26  }
0x31: {  	s16 =	simm.s32 $0xC0;
	vm0 =	vge.f32 v18, v8;
	v26 =	vmul.f32 v24, v12;
	v24 =	vadd.f32 v63, v27  }
.LBB2_2:
0x32: {  	s17 =	sshra.s32 s16, $0x2;
	p0 =	sne.s32 s16, $0x1840;
	s16 =	sadd.s32 $0x40, s16;
	v27 =	vsel vm0, v7, v4;
	v28 =	vsel vm0, v11, v5;
	v25 =	vmul.f32 v25, v12;
	[tilespmem:s13+$0x620] =	vst v23  }
0x33: {  	v23 =	vsel vm0, v16, v10;
	v30 =	vsel vm0, v17, v13;
	v29 =	vld [tilespmem:s17+$0x0];
	v26 =	vadd.f32 v26, v22;
	[tilespmem:s13+$0xC40] =	vst v24;
	s13 =	smov.u32 s14;
	s14 =	smov.u32 s15;
	s15 =	smov.u32 s17  }
.Ltmp0:
0x34: {  	v23 =	vmul.f32 v23, v18;
	v24 =	vmul.f32 v30, v18;
	v22 =	vmovc v27;
	v30 =	vadd.f32 v25, v20;
	(pc) =	sbr.rel @p0 .LBB2_2-.Ltmp0, $4  }
0x35: {  	v31 =	vsel vm0, v15, v9;
	v25 =	vsel vm0, v14, v6;
	v20 =	vmovc v28;
	v26 =	vmul.f32 v26, v12  }
0x36: {  	v28 =	vadd.f32 v23, v25;
	v25 =	vadd.f32 v24, v31;
	v24 =	vmul.f32 v30, v12;
	v12 =	vmovc v18  }
0x37: {  	v27 =	vmovc v19;
	v19 =	vsel vm0, v3, v1;
	v23 =	vadd.f32 v26, v21;
	v21 =	vsel vm0, v2, v0  }
0x38: {  	v26 =	vmul.f32 v28, v12;
	vm0 =	vge.f32 v29, v8;
	v24 =	vadd.f32 v24, v27;
	v18 =	vmovc v29  }
0x39: {  	v8 =	vsel vm0, v16, v10  }
0x3a: {  	v55 =	vsel vm0, v17, v13;
	v8 =	vmul.f32 v8, v18  }
0x3b: {  	v6 =	vsel vm0, v14, v6;
	v10 =	vmul.f32 v55, v18  }
0x3c: {  	v9 =	vsel vm0, v15, v9;
	v6 =	vadd.f32 v8, v6  }
0x3d: {  	v56 =	vmul.f32 v25, v12;
	v9 =	vadd.f32 v10, v9  }
0x3e: {  	v57 =	vadd.f32 v26, v22;
	v6 =	vmul.f32 v6, v18  }
0x3f: {  	v4 =	vsel vm0, v7, v4;
	v58 =	vadd.f32 v56, v20;
	v59 =	vmul.f32 v9, v18  }
0x40: {  	v5 =	vsel vm0, v11, v5;
	v60 =	vmul.f32 v57, v12;
	v4 =	vadd.f32 v6, v4  }
0x41: {  	v61 =	vmul.f32 v58, v12;
	v5 =	vadd.f32 v59, v5  }
0x42: {  	[tilespmem:s13+$0x620] =	vst v23;
	v62 =	vadd.f32 v60, v21;
	v4 =	vmul.f32 v4, v18  }
0x43: {  	v0 =	vsel vm0, v2, v0;
	[tilespmem:s13+$0xC40] =	vst v24;
	v63 =	vadd.f32 v61, v19;
	v5 =	vmul.f32 v5, v18  }
0x44: {  	v1 =	vsel vm0, v3, v1;
	[tilespmem:s14+$0x620] =	vst v62;
	v0 =	vadd.f32 v4, v0  }
0x45: {  	[tilespmem:s14+$0xC40] =	vst v63;
	v1 =	vadd.f32 v5, v1  }
0x46: {  	[tilespmem:s15+$0x620] =	vst v0  }
0x47: {  	[tilespmem:s15+$0xC40] =	vst v1  }
0x48: {  	[hbm4b:s5+s3] =	stream.linear.scatter [tilespmem:s10], [sflag:$0x1], $0x620, $0x38;
	[tilespmem:$0x1370] =	vst v63  }
0x49: {  	s12 =	sadd.s32 $0x1, s12;
	_ =	swait.ge [sflag:s8], $0x620  }
0x4a: {  	p0 =	sne.s32 s12, s7;
	[sflag:s8] =	ssyncset.done $0x0  }
.Ltmp1:
0x4b: {  	[sflag:s8] =	ssyncadd.s32 $0xFFFFF9E0;
	(pc) =	sbr.rel @p0 .LBB2_1-.Ltmp1, $4  }
0x4c: {  	[hbm4b:s6+s3] =	stream.linear.scatter [tilespmem:s11], [sflag:$0x1], $0x620, $0x38;
	[tilespmem:$0x1370] =	vst v63  }
0x4d: {  	_ =	swait.ge [sflag:s8], $0x620  }
0x4e: {  	[sflag:s8] =	ssyncset.done $0x0  }
0x4f: {  	[sflag:s8] =	ssyncadd.s32 $0xFFFFF9E0  }
0x50: {  	_ =	sfence.sel $0x180000  }
0x51: {  	[bflag:$0x0] =	sbarrier.arrive $0xFFFF  }
0x52: {  	p0 =	sne.s32 s0, $0x0;
	_ =	strace $0x90000047  }
0x53: {  	s0 =	sadd.s32 @!p0 $0x100000, s1;
	[bflag:$0x2] =	sbarrier.arrive $0xFFFF  }
0x54: {  	[sflag:s0] =	ssyncadd.tile.s32 @!p0 $0x1;
	_ =	shalt  }
.Lfunc_end2:
_tile_overlayer_lowered:
.L_overlay_start_2:
0x55: {  	(tag) =	ssettag $0x2  }
0x56: {  	s0 =	rddreg [dreg:$0x0];
	s2 =	stileid.u32  }
0x57: {  	s1 =	rddreg [dreg:$0x1];
	p0 =	sne.s32 s2, $0x0  }
0x58: {  	s3 =	rddreg [dreg:$0x2];
	[bflag:$0x3] =	sbarrier.arrive $0xFFFF;
	s2 =	simm.s32 @!p0 $0x1C01  }
0x59: {  	[timem:s3], [sflag:s2] =	dma.local @!p0 [hbm:s0], s1  }
0x5a: {  	s0 =	simm.s32 @!p0 $0x1  }
0x5b: {  	_ =	swait.ge @!p0 [sflag:s0], s1  }
0x5c: {  	s1 =	ssub.s32 @!p0 $0x0, s1;
	[sflag:s0] =	ssyncset.done @!p0 $0x0  }
0x5d: {  	[sflag:s0] =	ssyncadd.s32 @!p0 s1  }
0x5e: {  	[bflag:$0x3] =	sbarrier.arrive $0xFFFF  }
0x5f: {  	_ =	shalt  }

</sc_bundles>
